<compile_context>
chip_gen: v7x
topology: tpu7x:2x2x1
jax: 0.10.2.dev20260603
libtpu: 0.0.44.dev20260713+nightly
codegen_flags: <defaults>
</compile_context>

<pallas_src>
import functools

import jax
import jax.numpy as jnp
from jax import lax
from jax.experimental import pallas as pl
from jax.experimental.pallas import tpu as pltpu
from jax.experimental.pallas import tpu_sc as plsc

N_ROWS = 4096
N_COLS = 32000
NC, NS, L = 2, 16, 16
NW = NC * NS
RS = 2048
RT = N_ROWS - RS
RPW = RS // NW
HALF = N_COLS // 2
CHUNKS_H = HALF // L
UNROLL = 8
BR = 16


def _sc_pass(inp, target):
    mesh = plsc.VectorSubcoreMesh(core_axis_name="c", subcore_axis_name="s")

    @functools.partial(
        pl.kernel,
        out_type=(
            jax.ShapeDtypeStruct((RS * L,), jnp.float32),
            jax.ShapeDtypeStruct((RS * L,), jnp.float32),
        ),
        mesh=mesh,
        compiler_params=pltpu.CompilerParams(needs_layout_passes=False),
        scratch_types=[
            pltpu.VMEM((HALF,), jnp.float32),
            pltpu.VMEM((HALF,), jnp.float32),
            pltpu.VMEM((RPW,), jnp.int32),
            pltpu.VMEM((RPW * L,), jnp.float32),
            pltpu.VMEM((RPW * L,), jnp.float32),
            pltpu.SemaphoreType.DMA,
            pltpu.SemaphoreType.DMA,
        ],
    )
    def k(inp_hbm, tgt_hbm, s_out, x_out,
          buf0, buf1, tgt_v, s_stage, x_stage, sem0, sem1):
        bufs = (buf0, buf1)
        wid = lax.axis_index("s") * NC + lax.axis_index("c")
        base = wid * RPW

        pltpu.sync_copy(tgt_hbm.at[pl.ds(base, RPW)], tgt_v)

        sems = (sem0, sem1)
        for h in range(2):
            pltpu.async_copy(
                inp_hbm.at[base, pl.ds(h * HALF, HALF)], bufs[h], sems[h])

        def row_body(j, carry):
            zero = jnp.zeros((L,), jnp.float32)
            accs = (zero, zero, zero, zero)
            t_vec = tgt_v[pl.ds((j // L) * L, L)]
            row_hot = lax.iota(jnp.int32, L) == (j % L)
            t = jnp.max(jnp.where(row_hot, t_vec, 0))
            for h in range(2):
                pltpu.make_async_copy(
                    inp_hbm.at[0, pl.ds(0, HALF)], bufs[h], sems[h]).wait()
                bh = bufs[h]

                @plsc.parallel_loop(0, CHUNKS_H, step=UNROLL, unroll=2,
                                    carry=accs)
                def accs(c, accs):
                    a0, a1, a2, a3 = accs
                    o = c * L
                    a0 = a0 + jnp.exp(bh[pl.ds(o + 0 * L, L)])
                    a1 = a1 + jnp.exp(bh[pl.ds(o + 1 * L, L)])
                    a2 = a2 + jnp.exp(bh[pl.ds(o + 2 * L, L)])
                    a3 = a3 + jnp.exp(bh[pl.ds(o + 3 * L, L)])
                    a0 = a0 + jnp.exp(bh[pl.ds(o + 4 * L, L)])
                    a1 = a1 + jnp.exp(bh[pl.ds(o + 5 * L, L)])
                    a2 = a2 + jnp.exp(bh[pl.ds(o + 6 * L, L)])
                    a3 = a3 + jnp.exp(bh[pl.ds(o + 7 * L, L)])
                    return (a0, a1, a2, a3)

                local = t - h * HALF

                @pl.when((local >= 0) & (local < HALF))
                def _():
                    c0 = (local // L) * L
                    chunkv = bh[pl.ds(c0, L)]
                    onehot = lax.iota(jnp.int32, L) == (local - c0)
                    x_stage[pl.ds(j * L, L)] = jnp.where(onehot, chunkv, 0.0)

                @pl.when(j + 1 < RPW)
                def _():
                    pltpu.async_copy(
                        inp_hbm.at[base + j + 1, pl.ds(h * HALF, HALF)],
                        bufs[h], sems[h])

            a0, a1, a2, a3 = accs
            s_stage[pl.ds(j * L, L)] = (a0 + a1) + (a2 + a3)
            return carry

        lax.fori_loop(0, RPW, row_body, 0)

        pltpu.sync_copy(s_stage, s_out.at[pl.ds(base * L, RPW * L)])
        pltpu.sync_copy(x_stage, x_out.at[pl.ds(base * L, RPW * L)])

    return k(inp, target)


def _tc_dense(inp, tgt2):

    def fk(x_ref, t_ref, o_ref):
        i = pl.program_id(0)

        @pl.when(i == 0)
        def _():
            o_ref[...] = jnp.zeros((1, 1), jnp.float32)

        x = x_ref[...]
        t = t_ref[...]
        e = jnp.exp(x)
        cols = lax.broadcasted_iota(jnp.int32, (BR, N_COLS), 1)
        sel = jnp.where(cols == t, x, 0.0)
        P, W = 25, N_COLS // 25
        s_parts = [jnp.sum(e[:, k * W:(k + 1) * W], axis=1, keepdims=True)
                   for k in range(P)]
        x_parts = [jnp.sum(sel[:, k * W:(k + 1) * W], axis=1, keepdims=True)
                   for k in range(P)]
        def tree(ps):
            while len(ps) > 1:
                nxt = [a + b for a, b in zip(ps[::2], ps[1::2])]
                if len(ps) % 2:
                    nxt.append(ps[-1])
                ps = nxt
            return ps[0]

        s = tree(s_parts)
        xt = tree(x_parts)
        contrib = jnp.where(t != 0, jnp.log(s) - xt, 0.0)
        o_ref[...] += jnp.full((1, 1), jnp.sum(contrib), jnp.float32)

    return pl.pallas_call(
        fk,
        grid=(RT // BR,),
        in_specs=[
            pl.BlockSpec((BR, N_COLS), lambda i: (RS // BR + i, 0)),
            pl.BlockSpec((BR, 1), lambda i: (RS // BR + i, 0)),
        ],
        out_specs=pl.BlockSpec((1, 1), lambda i: (0, 0)),
        out_shape=jax.ShapeDtypeStruct((1, 1), jnp.float32),
    )(inp, tgt2)


def _finish(s2, x2, tgt2, tc_part):

    def fk(s_ref, x_ref, t_ref, p_ref, o_ref):
        s_sum = jnp.sum(s_ref[...], axis=1, keepdims=True)
        mask = t_ref[...] != 0
        xt = jnp.sum(x_ref[...], axis=1, keepdims=True)
        loss = jnp.sum(jnp.where(mask, jnp.log(s_sum) - xt, 0.0))
        o_ref[...] = jnp.full((1, 1), loss, jnp.float32) + p_ref[...]

    return pl.pallas_call(
        fk, out_shape=jax.ShapeDtypeStruct((1, 1), jnp.float32))(
            s2, x2, tgt2, tc_part)


def kernel(inp, target):
    tgt = target.astype(jnp.int32)
    tgt2 = tgt.reshape(N_ROWS, 1)
    s_out, x_out = _sc_pass(inp, tgt)
    tc_part = _tc_dense(inp, tgt2)
    out = _finish(s_out.reshape(RS, L), x_out.reshape(RS, L),
                  tgt2[:RS], tc_part)
    return out[0, 0]

# --- scband reference (transcript-rebuilt; emitter-appended) ---
"""Pipeline reference for scband-translation-loss-32298154065999 (READ-ONLY COPY).

The authoritative reference and input builder live on the scoring server;
editing this copy changes nothing except your own understanding.
"""

import jax, jax.numpy as jnp
import numpy as np

PADDING_IDX = 0

def setup_inputs(seed: int = 0) -> dict:
    key = jax.random.key(seed)
    k1, k2 = jax.random.split(key)
    inp = jax.random.normal(k1, (4096, 32000), dtype=jnp.float32)
    target = jax.random.randint(k2, (4096,), 0, 32000, dtype=jnp.int64 if jax.config.jax_enable_x64 else jnp.int32)
    return {"inp": inp, "target": target}

def reference(inp, target):
    # KLDivLoss requires a log-softmaxed input
    logp = jax.nn.log_softmax(inp, axis=-1)
    n = inp.shape[0]
    # construct one-hot label distribution via scatter-overwrite
    true_dist = jnp.zeros(inp.shape, dtype=inp.dtype).at[jnp.arange(n), target].set(1.0)
    # zero out rows where target == padding_idx (index_fill_ with 0.0)
    pad_mask = (target == PADDING_IDX)
    true_dist = jnp.where(pad_mask[:, None], 0.0, true_dist)
    # KLDivLoss(reduction='sum'): sum( target * (log(target) - input) ), with 0*log(0)=0
    loss = jnp.sum(jax.scipy.special.xlogy(true_dist, true_dist) - true_dist * logp)
    return loss

if __name__ == "__main__":
    import jax
    _d = setup_inputs()
    print(jax.jit(kernel)(*tuple(_d.values())))

</pallas_src>

<mosaic_0001>
#map = affine_map<(d0, d1) -> (0, 0)>
#map1 = affine_map<(d0, d1) -> (0)>
module attributes {stable_mosaic.version = 14 : i64} {
  func.func @k(%arg0: i32, %arg1: i32, %arg2: memref<4096x32000xf32, #tpu.memory_space<hbm>>, %arg3: memref<4096xi32, #tpu.memory_space<hbm>>, %arg4: memref<32768xf32, #tpu.memory_space<hbm>>, %arg5: memref<32768xf32, #tpu.memory_space<hbm>>, %arg6: memref<16000xf32, #tpu.memory_space<vmem>>, %arg7: memref<16000xf32, #tpu.memory_space<vmem>>, %arg8: memref<64xi32, #tpu.memory_space<vmem>>, %arg9: memref<1024xf32, #tpu.memory_space<vmem>>, %arg10: memref<1024xf32, #tpu.memory_space<vmem>>, %arg11: memref<!tpu.dma_semaphore, #tpu.memory_space<semaphore_mem>>, %arg12: memref<!tpu.dma_semaphore, #tpu.memory_space<semaphore_mem>>) attributes {dimension_semantics = [#tpu.dimension_semantics<core_parallel>, #tpu.dimension_semantics<subcore_parallel>], iteration_bounds = array<i64: 2, 16>, scalar_prefetch = 0 : i64, scratch_operands = 7 : i64, tpu.core_type = #tpu.core_type<sc_vector_subcore>, window_params = [{transform_indices = #map}, {transform_indices = #map1}, {transform_indices = #map1}, {transform_indices = #map1}]} {
    %mul3A = arith.constant 2 : i32
    %mul3A_0 = arith.muli %arg1, %mul3A : i32
    %add3A = arith.addi %mul3A_0, %arg0 : i32
    %mul3A_1 = arith.constant 64 : i32
    %mul3A_2 = arith.muli %add3A, %mul3A_1 : i32
    "tpu.region"() ({
      %run_scoped3A = tpu.sem_alloc : memref<!tpu.dma_semaphore, #tpu.memory_space<semaphore_mem>>
      %dma_start3A_23 = tpu.memref_slice %arg3[%mul3A_2] : memref<4096xi32, #tpu.memory_space<hbm>> -> memref<64xi32, #tpu.memory_space<hbm>>
      %dma_start3A_24 = tpu.memref_slice %arg3[%mul3A_2] : memref<4096xi32, #tpu.memory_space<hbm>> -> memref<64xi32, #tpu.memory_space<hbm>>
      tpu.enqueue_dma source(%dma_start3A_24 : memref<64xi32, #tpu.memory_space<hbm>>) target(%arg8 : memref<64xi32, #tpu.memory_space<vmem>>) target_semaphore(%run_scoped3A : memref<!tpu.dma_semaphore, #tpu.memory_space<semaphore_mem>>)
      %dma_wait3A = tpu.memref_slice %arg3[%mul3A_2] : memref<4096xi32, #tpu.memory_space<hbm>> -> memref<64xi32, #tpu.memory_space<hbm>>
      %dma_wait3A_25 = tpu.memref_slice %arg3[%mul3A_2] : memref<4096xi32, #tpu.memory_space<hbm>> -> memref<64xi32, #tpu.memory_space<hbm>>
      tpu.wait_dma2 semaphore(%run_scoped3A : memref<!tpu.dma_semaphore, #tpu.memory_space<semaphore_mem>>) src(%dma_wait3A_25 : memref<64xi32, #tpu.memory_space<hbm>>) dst(%arg8 : memref<64xi32, #tpu.memory_space<vmem>>)
      tpu.yield
    }) : () -> ()
    %dma_start3A = arith.constant 0 : i32
    %dma_start3A_3 = tpu.memref_slice %arg2[%mul3A_2, %dma_start3A] : memref<4096x32000xf32, #tpu.memory_space<hbm>> -> memref<1x16000xf32, #tpu.memory_space<hbm>>
    %dma_start3A_4 = tpu.memref_squeeze %dma_start3A_3 : memref<1x16000xf32, #tpu.memory_space<hbm>> -> memref<16000xf32, #tpu.memory_space<hbm>>
    %dma_start3A_5 = arith.constant 0 : i32
    %dma_start3A_6 = tpu.memref_slice %arg2[%mul3A_2, %dma_start3A_5] : memref<4096x32000xf32, #tpu.memory_space<hbm>> -> memref<1x16000xf32, #tpu.memory_space<hbm>>
    %dma_start3A_7 = tpu.memref_squeeze %dma_start3A_6 : memref<1x16000xf32, #tpu.memory_space<hbm>> -> memref<16000xf32, #tpu.memory_space<hbm>>
    tpu.enqueue_dma source(%dma_start3A_7 : memref<16000xf32, #tpu.memory_space<hbm>>) target(%arg6 : memref<16000xf32, #tpu.memory_space<vmem>>) target_semaphore(%arg11 : memref<!tpu.dma_semaphore, #tpu.memory_space<semaphore_mem>>)
    %dma_start3A_8 = arith.constant 16000 : i32
    %dma_start3A_9 = tpu.memref_slice %arg2[%mul3A_2, %dma_start3A_8] : memref<4096x32000xf32, #tpu.memory_space<hbm>> -> memref<1x16000xf32, #tpu.memory_space<hbm>>
    %dma_start3A_10 = tpu.memref_squeeze %dma_start3A_9 : memref<1x16000xf32, #tpu.memory_space<hbm>> -> memref<16000xf32, #tpu.memory_space<hbm>>
    %dma_start3A_11 = arith.constant 16000 : i32
    %dma_start3A_12 = tpu.memref_slice %arg2[%mul3A_2, %dma_start3A_11] : memref<4096x32000xf32, #tpu.memory_space<hbm>> -> memref<1x16000xf32, #tpu.memory_space<hbm>>
    %dma_start3A_13 = tpu.memref_squeeze %dma_start3A_12 : memref<1x16000xf32, #tpu.memory_space<hbm>> -> memref<16000xf32, #tpu.memory_space<hbm>>
    tpu.enqueue_dma source(%dma_start3A_13 : memref<16000xf32, #tpu.memory_space<hbm>>) target(%arg7 : memref<16000xf32, #tpu.memory_space<vmem>>) target_semaphore(%arg12 : memref<!tpu.dma_semaphore, #tpu.memory_space<semaphore_mem>>)
    %scan3A = arith.constant 0 : i32
    %scan3A_14 = arith.constant 0 : i32
    %scan3A_15 = arith.constant 64 : i32
    %scan3A_16 = arith.addi %scan3A_14, %scan3A_15 : i32
    %scan3A_17 = arith.constant 1 : i32
    scf.for %scan3A_23 = %scan3A_14 to %scan3A_16 step %scan3A_17  : i32 {
      %broadcast_in_dim3A = arith.constant 0.000000e+00 : f32
      %broadcast_in_dim3A_24 = vector.broadcast %broadcast_in_dim3A : f32 to vector<16xf32>
      %jit3A = arith.constant 16 : i32
      %div3A = arith.divsi %scan3A_23, %jit3A : i32
      %sign3A = arith.constant 0 : i32
      %sign3A_25 = arith.cmpi sgt, %scan3A_23, %sign3A : i32
      %sign3A_26 = arith.extui %sign3A_25 : i1 to i32
      %sign3A_27 = arith.constant 0 : i32
      %sign3A_28 = arith.cmpi slt, %scan3A_23, %sign3A_27 : i32
      %sign3A_29 = arith.extui %sign3A_28 : i1 to i32
      %sign3A_30 = arith.subi %sign3A_26, %sign3A_29 : i32
      %sign3A_31 = arith.constant 0 : i32
      %sign3A_32 = arith.cmpi sgt, %jit3A, %sign3A_31 : i32
      %sign3A_33 = arith.extui %sign3A_32 : i1 to i32
      %sign3A_34 = arith.constant 0 : i32
      %sign3A_35 = arith.cmpi slt, %jit3A, %sign3A_34 : i32
      %sign3A_36 = arith.extui %sign3A_35 : i1 to i32
      %sign3A_37 = arith.subi %sign3A_33, %sign3A_36 : i32
      %ne3A = arith.cmpi ne, %sign3A_30, %sign3A_37 : i32
      %rem3A = arith.remsi %scan3A_23, %jit3A : i32
      %ne3A_38 = arith.constant 0 : i32
      %ne3A_39 = arith.cmpi ne, %rem3A, %ne3A_38 : i32
      %and3A = arith.andi %ne3A, %ne3A_39 : i1
      %sub3A = arith.constant 1 : i32
      %sub3A_40 = arith.subi %div3A, %sub3A : i32
      %select_n3A = arith.select %and3A, %sub3A_40, %div3A : i32
      %mul3A_41 = arith.constant 16 : i32
      %mul3A_42 = arith.muli %select_n3A, %mul3A_41 : i32
      %get3A = arith.index_cast %mul3A_42 : i32 to index
      %get3A_43 = tpu.vector_load %arg8[%get3A] {strides = array<i32>} : memref<64xi32, #tpu.memory_space<vmem>>, vector<16xi32>,
      %iota3A = tpu.iota {dimensions = array<i32: 0>} : vector<16xi32>
      %jit3A_44 = arith.constant 16 : i32
      %eq3A = arith.constant 0 : i32
      %eq3A_45 = arith.cmpi eq, %jit3A_44, %eq3A : i32
      %jit3A_46 = arith.constant 1 : i32
      %select_n3A_47 = arith.select %eq3A_45, %jit3A_46, %jit3A_44 : i32
      %rem3A_48 = arith.remsi %scan3A_23, %select_n3A_47 : i32
      %ne3A_49 = arith.constant 0 : i32
      %ne3A_50 = arith.cmpi ne, %rem3A_48, %ne3A_49 : i32
      %lt3A = arith.constant 0 : i32
      %lt3A_51 = arith.cmpi slt, %rem3A_48, %lt3A : i32
      %lt3A_52 = arith.constant 0 : i32
      %lt3A_53 = arith.cmpi slt, %select_n3A_47, %lt3A_52 : i32
      %ne3A_54 = arith.xori %lt3A_51, %lt3A_53 : i1
      %and3A_55 = arith.andi %ne3A_54, %ne3A_50 : i1
      %add3A_56 = arith.addi %rem3A_48, %select_n3A_47 : i32
      %select_n3A_57 = arith.select %and3A_55, %add3A_56, %rem3A_48 : i32
      %eq3A_58 = vector.broadcast %select_n3A_57 : i32 to vector<16xi32>
      %eq3A_59 = arith.cmpi eq, %iota3A, %eq3A_58 : vector<16xi32>
      %jit3A_60 = arith.constant 0 : i32
      %broadcast_in_dim3A_61 = vector.broadcast %jit3A_60 : i32 to vector<16xi32>
      %select_n3A_62 = arith.select %eq3A_59, %get3A_43, %broadcast_in_dim3A_61 : vector<16xi1>, vector<16xi32>
      %reduce_max3A = arith.constant true
      %reduce_max3A_63 = vector.broadcast %reduce_max3A : i1 to vector<16xi1>
      %reduce_max3A_64 = arith.constant -2147483648 : i32
      %reduce_max3A_65 = vector.broadcast %reduce_max3A_64 : i32 to vector<16xi32>
      %reduce_max3A_66 = arith.xori %select_n3A_62, %reduce_max3A_65 : vector<16xi32>
      %reduce_max3A_67 = tpu.scan <max>, %reduce_max3A_66 masked %reduce_max3A_63 : vector<16xi32>, vector<16xi1> -> vector<16xi32>
      %reduce_max3A_68 = arith.xori %reduce_max3A_67, %reduce_max3A_65 : vector<16xi32>
      %reduce_max3A_69 = vector.extract %reduce_max3A_68[15] : i32 from vector<16xi32>
      %dma_wait3A = arith.constant 0 : i32
      %dma_wait3A_70 = arith.constant 0 : i32
      %dma_wait3A_71 = tpu.memref_slice %arg2[%dma_wait3A, %dma_wait3A_70] : memref<4096x32000xf32, #tpu.memory_space<hbm>> -> memref<1x16000xf32, #tpu.memory_space<hbm>>
      %dma_wait3A_72 = tpu.memref_squeeze %dma_wait3A_71 : memref<1x16000xf32, #tpu.memory_space<hbm>> -> memref<16000xf32, #tpu.memory_space<hbm>>
      %dma_wait3A_73 = arith.constant 0 : i32
      %dma_wait3A_74 = tpu.memref_slice %arg2[%dma_wait3A, %dma_wait3A_73] : memref<4096x32000xf32, #tpu.memory_space<hbm>> -> memref<1x16000xf32, #tpu.memory_space<hbm>>
      %dma_wait3A_75 = tpu.memref_squeeze %dma_wait3A_74 : memref<1x16000xf32, #tpu.memory_space<hbm>> -> memref<16000xf32, #tpu.memory_space<hbm>>
      tpu.wait_dma2 semaphore(%arg11 : memref<!tpu.dma_semaphore, #tpu.memory_space<semaphore_mem>>) src(%dma_wait3A_75 : memref<16000xf32, #tpu.memory_space<hbm>>) dst(%arg6 : memref<16000xf32, #tpu.memory_space<vmem>>)
      %parallel_loop3A = arith.constant 0 : i32
      %parallel_loop3A_76 = arith.constant 1000 : i32
      %parallel_loop3A_77 = arith.constant 8 : i32
      %parallel_loop3A_78:4 = scf.for %parallel_loop3A_127 = %parallel_loop3A to %parallel_loop3A_76 step %parallel_loop3A_77 iter_args(%parallel_loop3A_128 = %broadcast_in_dim3A_24, %parallel_loop3A_129 = %broadcast_in_dim3A_24, %parallel_loop3A_130 = %broadcast_in_dim3A_24, %parallel_loop3A_131 = %broadcast_in_dim3A_24) -> (vector<16xf32>, vector<16xf32>, vector<16xf32>, vector<16xf32>)  : i32 {
        %parallel_loop3A_132 = arith.constant 16 : i32
        %parallel_loop3A_133 = arith.muli %parallel_loop3A_127, %parallel_loop3A_132 : i32
        %parallel_loop3A_134 = arith.constant 0 : i32
        %parallel_loop3A_135 = arith.addi %parallel_loop3A_133, %parallel_loop3A_134 : i32
        %parallel_loop3A_136 = arith.index_cast %parallel_loop3A_135 : i32 to index
        %parallel_loop3A_137 = tpu.vector_load %arg6[%parallel_loop3A_136] {strides = array<i32>} : memref<16000xf32, #tpu.memory_space<vmem>>, vector<16xf32>,
        %parallel_loop3A_138 = math.exp %parallel_loop3A_137 : vector<16xf32>
        %parallel_loop3A_139 = arith.addf %parallel_loop3A_128, %parallel_loop3A_138 : vector<16xf32>
        %parallel_loop3A_140 = arith.constant 16 : i32
        %parallel_loop3A_141 = arith.addi %parallel_loop3A_133, %parallel_loop3A_140 : i32
        %parallel_loop3A_142 = arith.index_cast %parallel_loop3A_141 : i32 to index
        %parallel_loop3A_143 = tpu.vector_load %arg6[%parallel_loop3A_142] {strides = array<i32>} : memref<16000xf32, #tpu.memory_space<vmem>>, vector<16xf32>,
        %parallel_loop3A_144 = math.exp %parallel_loop3A_143 : vector<16xf32>
        %parallel_loop3A_145 = arith.addf %parallel_loop3A_129, %parallel_loop3A_144 : vector<16xf32>
        %parallel_loop3A_146 = arith.constant 32 : i32
        %parallel_loop3A_147 = arith.addi %parallel_loop3A_133, %parallel_loop3A_146 : i32
        %parallel_loop3A_148 = arith.index_cast %parallel_loop3A_147 : i32 to index
        %parallel_loop3A_149 = tpu.vector_load %arg6[%parallel_loop3A_148] {strides = array<i32>} : memref<16000xf32, #tpu.memory_space<vmem>>, vector<16xf32>,
        %parallel_loop3A_150 = math.exp %parallel_loop3A_149 : vector<16xf32>
        %parallel_loop3A_151 = arith.addf %parallel_loop3A_130, %parallel_loop3A_150 : vector<16xf32>
        %parallel_loop3A_152 = arith.constant 48 : i32
        %parallel_loop3A_153 = arith.addi %parallel_loop3A_133, %parallel_loop3A_152 : i32
        %parallel_loop3A_154 = arith.index_cast %parallel_loop3A_153 : i32 to index
        %parallel_loop3A_155 = tpu.vector_load %arg6[%parallel_loop3A_154] {strides = array<i32>} : memref<16000xf32, #tpu.memory_space<vmem>>, vector<16xf32>,
        %parallel_loop3A_156 = math.exp %parallel_loop3A_155 : vector<16xf32>
        %parallel_loop3A_157 = arith.addf %parallel_loop3A_131, %parallel_loop3A_156 : vector<16xf32>
        %parallel_loop3A_158 = arith.constant 64 : i32
        %parallel_loop3A_159 = arith.addi %parallel_loop3A_133, %parallel_loop3A_158 : i32
        %parallel_loop3A_160 = arith.index_cast %parallel_loop3A_159 : i32 to index
        %parallel_loop3A_161 = tpu.vector_load %arg6[%parallel_loop3A_160] {strides = array<i32>} : memref<16000xf32, #tpu.memory_space<vmem>>, vector<16xf32>,
        %parallel_loop3A_162 = math.exp %parallel_loop3A_161 : vector<16xf32>
        %parallel_loop3A_163 = arith.addf %parallel_loop3A_139, %parallel_loop3A_162 : vector<16xf32>
        %parallel_loop3A_164 = arith.constant 80 : i32
        %parallel_loop3A_165 = arith.addi %parallel_loop3A_133, %parallel_loop3A_164 : i32
        %parallel_loop3A_166 = arith.index_cast %parallel_loop3A_165 : i32 to index
        %parallel_loop3A_167 = tpu.vector_load %arg6[%parallel_loop3A_166] {strides = array<i32>} : memref<16000xf32, #tpu.memory_space<vmem>>, vector<16xf32>,
        %parallel_loop3A_168 = math.exp %parallel_loop3A_167 : vector<16xf32>
        %parallel_loop3A_169 = arith.addf %parallel_loop3A_145, %parallel_loop3A_168 : vector<16xf32>
        %parallel_loop3A_170 = arith.constant 96 : i32
        %parallel_loop3A_171 = arith.addi %parallel_loop3A_133, %parallel_loop3A_170 : i32
        %parallel_loop3A_172 = arith.index_cast %parallel_loop3A_171 : i32 to index
        %parallel_loop3A_173 = tpu.vector_load %arg6[%parallel_loop3A_172] {strides = array<i32>} : memref<16000xf32, #tpu.memory_space<vmem>>, vector<16xf32>,
        %parallel_loop3A_174 = math.exp %parallel_loop3A_173 : vector<16xf32>
        %parallel_loop3A_175 = arith.addf %parallel_loop3A_151, %parallel_loop3A_174 : vector<16xf32>
        %parallel_loop3A_176 = arith.constant 112 : i32
        %parallel_loop3A_177 = arith.addi %parallel_loop3A_133, %parallel_loop3A_176 : i32
        %parallel_loop3A_178 = arith.index_cast %parallel_loop3A_177 : i32 to index
        %parallel_loop3A_179 = tpu.vector_load %arg6[%parallel_loop3A_178] {strides = array<i32>} : memref<16000xf32, #tpu.memory_space<vmem>>, vector<16xf32>,
        %parallel_loop3A_180 = math.exp %parallel_loop3A_179 : vector<16xf32>
        %parallel_loop3A_181 = arith.addf %parallel_loop3A_157, %parallel_loop3A_180 : vector<16xf32>
        scf.yield %parallel_loop3A_163, %parallel_loop3A_169, %parallel_loop3A_175, %parallel_loop3A_181 : vector<16xf32>, vector<16xf32>, vector<16xf32>, vector<16xf32>
      } {sc.loop_unroll_factor = 2 : i64, sc.parallel_access}
      %sub3A_79 = arith.constant 0 : i32
      %sub3A_80 = arith.subi %reduce_max3A_69, %sub3A_79 : i32
      %ge3A = arith.constant 0 : i32
      %ge3A_81 = arith.cmpi sge, %sub3A_80, %ge3A : i32
      %lt3A_82 = arith.constant 16000 : i32
      %lt3A_83 = arith.cmpi slt, %sub3A_80, %lt3A_82 : i32
      %and3A_84 = arith.andi %ge3A_81, %lt3A_83 : i1
      %convert_element_type3A = arith.extui %and3A_84 : i1 to i32
      %cond3A = arith.constant 0 : i32
      %cond3A_85 = arith.cmpi ne, %convert_element_type3A, %cond3A : i32
      scf.if %cond3A_85 {
        %jit3A_127 = arith.constant 16 : i32
        %div3A_128 = arith.divsi %sub3A_80, %jit3A_127 : i32
        %sign3A_129 = arith.constant 0 : i32
        %sign3A_130 = arith.cmpi sgt, %sub3A_80, %sign3A_129 : i32
        %sign3A_131 = arith.extui %sign3A_130 : i1 to i32
        %sign3A_132 = arith.constant 0 : i32
        %sign3A_133 = arith.cmpi slt, %sub3A_80, %sign3A_132 : i32
        %sign3A_134 = arith.extui %sign3A_133 : i1 to i32
        %sign3A_135 = arith.subi %sign3A_131, %sign3A_134 : i32
        %sign3A_136 = arith.constant 0 : i32
        %sign3A_137 = arith.cmpi sgt, %jit3A_127, %sign3A_136 : i32
        %sign3A_138 = arith.extui %sign3A_137 : i1 to i32
        %sign3A_139 = arith.constant 0 : i32
        %sign3A_140 = arith.cmpi slt, %jit3A_127, %sign3A_139 : i32
        %sign3A_141 = arith.extui %sign3A_140 : i1 to i32
        %sign3A_142 = arith.subi %sign3A_138, %sign3A_141 : i32
        %ne3A_143 = arith.cmpi ne, %sign3A_135, %sign3A_142 : i32
        %rem3A_144 = arith.remsi %sub3A_80, %jit3A_127 : i32
        %ne3A_145 = arith.constant 0 : i32
        %ne3A_146 = arith.cmpi ne, %rem3A_144, %ne3A_145 : i32
        %and3A_147 = arith.andi %ne3A_143, %ne3A_146 : i1
        %sub3A_148 = arith.constant 1 : i32
        %sub3A_149 = arith.subi %div3A_128, %sub3A_148 : i32
        %select_n3A_150 = arith.select %and3A_147, %sub3A_149, %div3A_128 : i32
        %mul3A_151 = arith.constant 16 : i32
        %mul3A_152 = arith.muli %select_n3A_150, %mul3A_151 : i32
        %get3A_153 = arith.index_cast %mul3A_152 : i32 to index
        %get3A_154 = tpu.vector_load %arg6[%get3A_153] {strides = array<i32>} : memref<16000xf32, #tpu.memory_space<vmem>>, vector<16xf32>,
        %iota3A_155 = tpu.iota {dimensions = array<i32: 0>} : vector<16xi32>
        %sub3A_156 = arith.subi %sub3A_80, %mul3A_152 : i32
        %eq3A_157 = vector.broadcast %sub3A_156 : i32 to vector<16xi32>
        %eq3A_158 = arith.cmpi eq, %iota3A_155, %eq3A_157 : vector<16xi32>
        %jit3A_159 = arith.constant 0.000000e+00 : f32
        %broadcast_in_dim3A_160 = vector.broadcast %jit3A_159 : f32 to vector<16xf32>
        %select_n3A_161 = arith.select %eq3A_158, %get3A_154, %broadcast_in_dim3A_160 : vector<16xi1>, vector<16xf32>
        %mul3A_162 = arith.constant 16 : i32
        %mul3A_163 = arith.muli %scan3A_23, %mul3A_162 : i32
        %swap3A_164 = arith.index_cast %mul3A_163 : i32 to index
        %swap3A_165 = tpu.vector_load %arg10[%swap3A_164] {strides = array<i32>} : memref<1024xf32, #tpu.memory_space<vmem>>, vector<16xf32>,
        tpu.vector_store %arg10[%swap3A_164], %select_n3A_161 {strides = array<i32>} : memref<1024xf32, #tpu.memory_space<vmem>>, vector<16xf32>,
      } else {
      }
      %add3A_86 = arith.constant 1 : i32
      %add3A_87 = arith.addi %scan3A_23, %add3A_86 : i32
      %lt3A_88 = arith.constant 64 : i32
      %lt3A_89 = arith.cmpi slt, %add3A_87, %lt3A_88 : i32
      %convert_element_type3A_90 = arith.extui %lt3A_89 : i1 to i32
      %cond3A_91 = arith.constant 0 : i32
      %cond3A_92 = arith.cmpi ne, %convert_element_type3A_90, %cond3A_91 : i32
      scf.if %cond3A_92 {
        %add3A_127 = arith.addi %mul3A_2, %scan3A_23 : i32
        %add3A_128 = arith.constant 1 : i32
        %add3A_129 = arith.addi %add3A_127, %add3A_128 : i32
        %dma_start3A_130 = arith.constant 0 : i32
        %dma_start3A_131 = tpu.memref_slice %arg2[%add3A_129, %dma_start3A_130] : memref<4096x32000xf32, #tpu.memory_space<hbm>> -> memref<1x16000xf32, #tpu.memory_space<hbm>>
        %dma_start3A_132 = tpu.memref_squeeze %dma_start3A_131 : memref<1x16000xf32, #tpu.memory_space<hbm>> -> memref<16000xf32, #tpu.memory_space<hbm>>
        %dma_start3A_133 = arith.constant 0 : i32
        %dma_start3A_134 = tpu.memref_slice %arg2[%add3A_129, %dma_start3A_133] : memref<4096x32000xf32, #tpu.memory_space<hbm>> -> memref<1x16000xf32, #tpu.memory_space<hbm>>
        %dma_start3A_135 = tpu.memref_squeeze %dma_start3A_134 : memref<1x16000xf32, #tpu.memory_space<hbm>> -> memref<16000xf32, #tpu.memory_space<hbm>>
        tpu.enqueue_dma source(%dma_start3A_135 : memref<16000xf32, #tpu.memory_space<hbm>>) target(%arg6 : memref<16000xf32, #tpu.memory_space<vmem>>) target_semaphore(%arg11 : memref<!tpu.dma_semaphore, #tpu.memory_space<semaphore_mem>>)
      } else {
      }
      %dma_wait3A_93 = arith.constant 0 : i32
      %dma_wait3A_94 = arith.constant 0 : i32
      %dma_wait3A_95 = tpu.memref_slice %arg2[%dma_wait3A_93, %dma_wait3A_94] : memref<4096x32000xf32, #tpu.memory_space<hbm>> -> memref<1x16000xf32, #tpu.memory_space<hbm>>
      %dma_wait3A_96 = tpu.memref_squeeze %dma_wait3A_95 : memref<1x16000xf32, #tpu.memory_space<hbm>> -> memref<16000xf32, #tpu.memory_space<hbm>>
      %dma_wait3A_97 = arith.constant 0 : i32
      %dma_wait3A_98 = tpu.memref_slice %arg2[%dma_wait3A_93, %dma_wait3A_97] : memref<4096x32000xf32, #tpu.memory_space<hbm>> -> memref<1x16000xf32, #tpu.memory_space<hbm>>
      %dma_wait3A_99 = tpu.memref_squeeze %dma_wait3A_98 : memref<1x16000xf32, #tpu.memory_space<hbm>> -> memref<16000xf32, #tpu.memory_space<hbm>>
      tpu.wait_dma2 semaphore(%arg12 : memref<!tpu.dma_semaphore, #tpu.memory_space<semaphore_mem>>) src(%dma_wait3A_99 : memref<16000xf32, #tpu.memory_space<hbm>>) dst(%arg7 : memref<16000xf32, #tpu.memory_space<vmem>>)
      %parallel_loop3A_100 = arith.constant 0 : i32
      %parallel_loop3A_101 = arith.constant 1000 : i32
      %parallel_loop3A_102 = arith.constant 8 : i32
      %parallel_loop3A_103:4 = scf.for %parallel_loop3A_127 = %parallel_loop3A_100 to %parallel_loop3A_101 step %parallel_loop3A_102 iter_args(%parallel_loop3A_128 = %parallel_loop3A_78#0, %parallel_loop3A_129 = %parallel_loop3A_78#1, %parallel_loop3A_130 = %parallel_loop3A_78#2, %parallel_loop3A_131 = %parallel_loop3A_78#3) -> (vector<16xf32>, vector<16xf32>, vector<16xf32>, vector<16xf32>)  : i32 {
        %parallel_loop3A_132 = arith.constant 16 : i32
        %parallel_loop3A_133 = arith.muli %parallel_loop3A_127, %parallel_loop3A_132 : i32
        %parallel_loop3A_134 = arith.constant 0 : i32
        %parallel_loop3A_135 = arith.addi %parallel_loop3A_133, %parallel_loop3A_134 : i32
        %parallel_loop3A_136 = arith.index_cast %parallel_loop3A_135 : i32 to index
        %parallel_loop3A_137 = tpu.vector_load %arg7[%parallel_loop3A_136] {strides = array<i32>} : memref<16000xf32, #tpu.memory_space<vmem>>, vector<16xf32>,
        %parallel_loop3A_138 = math.exp %parallel_loop3A_137 : vector<16xf32>
        %parallel_loop3A_139 = arith.addf %parallel_loop3A_128, %parallel_loop3A_138 : vector<16xf32>
        %parallel_loop3A_140 = arith.constant 16 : i32
        %parallel_loop3A_141 = arith.addi %parallel_loop3A_133, %parallel_loop3A_140 : i32
        %parallel_loop3A_142 = arith.index_cast %parallel_loop3A_141 : i32 to index
        %parallel_loop3A_143 = tpu.vector_load %arg7[%parallel_loop3A_142] {strides = array<i32>} : memref<16000xf32, #tpu.memory_space<vmem>>, vector<16xf32>,
        %parallel_loop3A_144 = math.exp %parallel_loop3A_143 : vector<16xf32>
        %parallel_loop3A_145 = arith.addf %parallel_loop3A_129, %parallel_loop3A_144 : vector<16xf32>
        %parallel_loop3A_146 = arith.constant 32 : i32
        %parallel_loop3A_147 = arith.addi %parallel_loop3A_133, %parallel_loop3A_146 : i32
        %parallel_loop3A_148 = arith.index_cast %parallel_loop3A_147 : i32 to index
        %parallel_loop3A_149 = tpu.vector_load %arg7[%parallel_loop3A_148] {strides = array<i32>} : memref<16000xf32, #tpu.memory_space<vmem>>, vector<16xf32>,
        %parallel_loop3A_150 = math.exp %parallel_loop3A_149 : vector<16xf32>
        %parallel_loop3A_151 = arith.addf %parallel_loop3A_130, %parallel_loop3A_150 : vector<16xf32>
        %parallel_loop3A_152 = arith.constant 48 : i32
        %parallel_loop3A_153 = arith.addi %parallel_loop3A_133, %parallel_loop3A_152 : i32
        %parallel_loop3A_154 = arith.index_cast %parallel_loop3A_153 : i32 to index
        %parallel_loop3A_155 = tpu.vector_load %arg7[%parallel_loop3A_154] {strides = array<i32>} : memref<16000xf32, #tpu.memory_space<vmem>>, vector<16xf32>,
        %parallel_loop3A_156 = math.exp %parallel_loop3A_155 : vector<16xf32>
        %parallel_loop3A_157 = arith.addf %parallel_loop3A_131, %parallel_loop3A_156 : vector<16xf32>
        %parallel_loop3A_158 = arith.constant 64 : i32
        %parallel_loop3A_159 = arith.addi %parallel_loop3A_133, %parallel_loop3A_158 : i32
        %parallel_loop3A_160 = arith.index_cast %parallel_loop3A_159 : i32 to index
        %parallel_loop3A_161 = tpu.vector_load %arg7[%parallel_loop3A_160] {strides = array<i32>} : memref<16000xf32, #tpu.memory_space<vmem>>, vector<16xf32>,
        %parallel_loop3A_162 = math.exp %parallel_loop3A_161 : vector<16xf32>
        %parallel_loop3A_163 = arith.addf %parallel_loop3A_139, %parallel_loop3A_162 : vector<16xf32>
        %parallel_loop3A_164 = arith.constant 80 : i32
        %parallel_loop3A_165 = arith.addi %parallel_loop3A_133, %parallel_loop3A_164 : i32
        %parallel_loop3A_166 = arith.index_cast %parallel_loop3A_165 : i32 to index
        %parallel_loop3A_167 = tpu.vector_load %arg7[%parallel_loop3A_166] {strides = array<i32>} : memref<16000xf32, #tpu.memory_space<vmem>>, vector<16xf32>,
        %parallel_loop3A_168 = math.exp %parallel_loop3A_167 : vector<16xf32>
        %parallel_loop3A_169 = arith.addf %parallel_loop3A_145, %parallel_loop3A_168 : vector<16xf32>
        %parallel_loop3A_170 = arith.constant 96 : i32
        %parallel_loop3A_171 = arith.addi %parallel_loop3A_133, %parallel_loop3A_170 : i32
        %parallel_loop3A_172 = arith.index_cast %parallel_loop3A_171 : i32 to index
        %parallel_loop3A_173 = tpu.vector_load %arg7[%parallel_loop3A_172] {strides = array<i32>} : memref<16000xf32, #tpu.memory_space<vmem>>, vector<16xf32>,
        %parallel_loop3A_174 = math.exp %parallel_loop3A_173 : vector<16xf32>
        %parallel_loop3A_175 = arith.addf %parallel_loop3A_151, %parallel_loop3A_174 : vector<16xf32>
        %parallel_loop3A_176 = arith.constant 112 : i32
        %parallel_loop3A_177 = arith.addi %parallel_loop3A_133, %parallel_loop3A_176 : i32
        %parallel_loop3A_178 = arith.index_cast %parallel_loop3A_177 : i32 to index
        %parallel_loop3A_179 = tpu.vector_load %arg7[%parallel_loop3A_178] {strides = array<i32>} : memref<16000xf32, #tpu.memory_space<vmem>>, vector<16xf32>,
        %parallel_loop3A_180 = math.exp %parallel_loop3A_179 : vector<16xf32>
        %parallel_loop3A_181 = arith.addf %parallel_loop3A_157, %parallel_loop3A_180 : vector<16xf32>
        scf.yield %parallel_loop3A_163, %parallel_loop3A_169, %parallel_loop3A_175, %parallel_loop3A_181 : vector<16xf32>, vector<16xf32>, vector<16xf32>, vector<16xf32>
      } {sc.loop_unroll_factor = 2 : i64, sc.parallel_access}
      %sub3A_104 = arith.constant 16000 : i32
      %sub3A_105 = arith.subi %reduce_max3A_69, %sub3A_104 : i32
      %ge3A_106 = arith.constant 0 : i32
      %ge3A_107 = arith.cmpi sge, %sub3A_105, %ge3A_106 : i32
      %lt3A_108 = arith.constant 16000 : i32
      %lt3A_109 = arith.cmpi slt, %sub3A_105, %lt3A_108 : i32
      %and3A_110 = arith.andi %ge3A_107, %lt3A_109 : i1
      %convert_element_type3A_111 = arith.extui %and3A_110 : i1 to i32
      %cond3A_112 = arith.constant 0 : i32
      %cond3A_113 = arith.cmpi ne, %convert_element_type3A_111, %cond3A_112 : i32
      scf.if %cond3A_113 {
        %jit3A_127 = arith.constant 16 : i32
        %div3A_128 = arith.divsi %sub3A_105, %jit3A_127 : i32
        %sign3A_129 = arith.constant 0 : i32
        %sign3A_130 = arith.cmpi sgt, %sub3A_105, %sign3A_129 : i32
        %sign3A_131 = arith.extui %sign3A_130 : i1 to i32
        %sign3A_132 = arith.constant 0 : i32
        %sign3A_133 = arith.cmpi slt, %sub3A_105, %sign3A_132 : i32
        %sign3A_134 = arith.extui %sign3A_133 : i1 to i32
        %sign3A_135 = arith.subi %sign3A_131, %sign3A_134 : i32
        %sign3A_136 = arith.constant 0 : i32
        %sign3A_137 = arith.cmpi sgt, %jit3A_127, %sign3A_136 : i32
        %sign3A_138 = arith.extui %sign3A_137 : i1 to i32
        %sign3A_139 = arith.constant 0 : i32
        %sign3A_140 = arith.cmpi slt, %jit3A_127, %sign3A_139 : i32
        %sign3A_141 = arith.extui %sign3A_140 : i1 to i32
        %sign3A_142 = arith.subi %sign3A_138, %sign3A_141 : i32
        %ne3A_143 = arith.cmpi ne, %sign3A_135, %sign3A_142 : i32
        %rem3A_144 = arith.remsi %sub3A_105, %jit3A_127 : i32
        %ne3A_145 = arith.constant 0 : i32
        %ne3A_146 = arith.cmpi ne, %rem3A_144, %ne3A_145 : i32
        %and3A_147 = arith.andi %ne3A_143, %ne3A_146 : i1
        %sub3A_148 = arith.constant 1 : i32
        %sub3A_149 = arith.subi %div3A_128, %sub3A_148 : i32
        %select_n3A_150 = arith.select %and3A_147, %sub3A_149, %div3A_128 : i32
        %mul3A_151 = arith.constant 16 : i32
        %mul3A_152 = arith.muli %select_n3A_150, %mul3A_151 : i32
        %get3A_153 = arith.index_cast %mul3A_152 : i32 to index
        %get3A_154 = tpu.vector_load %arg7[%get3A_153] {strides = array<i32>} : memref<16000xf32, #tpu.memory_space<vmem>>, vector<16xf32>,
        %iota3A_155 = tpu.iota {dimensions = array<i32: 0>} : vector<16xi32>
        %sub3A_156 = arith.subi %sub3A_105, %mul3A_152 : i32
        %eq3A_157 = vector.broadcast %sub3A_156 : i32 to vector<16xi32>
        %eq3A_158 = arith.cmpi eq, %iota3A_155, %eq3A_157 : vector<16xi32>
        %jit3A_159 = arith.constant 0.000000e+00 : f32
        %broadcast_in_dim3A_160 = vector.broadcast %jit3A_159 : f32 to vector<16xf32>
        %select_n3A_161 = arith.select %eq3A_158, %get3A_154, %broadcast_in_dim3A_160 : vector<16xi1>, vector<16xf32>
        %mul3A_162 = arith.constant 16 : i32
        %mul3A_163 = arith.muli %scan3A_23, %mul3A_162 : i32
        %swap3A_164 = arith.index_cast %mul3A_163 : i32 to index
        %swap3A_165 = tpu.vector_load %arg10[%swap3A_164] {strides = array<i32>} : memref<1024xf32, #tpu.memory_space<vmem>>, vector<16xf32>,
        tpu.vector_store %arg10[%swap3A_164], %select_n3A_161 {strides = array<i32>} : memref<1024xf32, #tpu.memory_space<vmem>>, vector<16xf32>,
      } else {
      }
      %add3A_114 = arith.constant 1 : i32
      %add3A_115 = arith.addi %scan3A_23, %add3A_114 : i32
      %lt3A_116 = arith.constant 64 : i32
      %lt3A_117 = arith.cmpi slt, %add3A_115, %lt3A_116 : i32
      %convert_element_type3A_118 = arith.extui %lt3A_117 : i1 to i32
      %cond3A_119 = arith.constant 0 : i32
      %cond3A_120 = arith.cmpi ne, %convert_element_type3A_118, %cond3A_119 : i32
      scf.if %cond3A_120 {
        %add3A_127 = arith.addi %mul3A_2, %scan3A_23 : i32
        %add3A_128 = arith.constant 1 : i32
        %add3A_129 = arith.addi %add3A_127, %add3A_128 : i32
        %dma_start3A_130 = arith.constant 16000 : i32
        %dma_start3A_131 = tpu.memref_slice %arg2[%add3A_129, %dma_start3A_130] : memref<4096x32000xf32, #tpu.memory_space<hbm>> -> memref<1x16000xf32, #tpu.memory_space<hbm>>
        %dma_start3A_132 = tpu.memref_squeeze %dma_start3A_131 : memref<1x16000xf32, #tpu.memory_space<hbm>> -> memref<16000xf32, #tpu.memory_space<hbm>>
        %dma_start3A_133 = arith.constant 16000 : i32
        %dma_start3A_134 = tpu.memref_slice %arg2[%add3A_129, %dma_start3A_133] : memref<4096x32000xf32, #tpu.memory_space<hbm>> -> memref<1x16000xf32, #tpu.memory_space<hbm>>
        %dma_start3A_135 = tpu.memref_squeeze %dma_start3A_134 : memref<1x16000xf32, #tpu.memory_space<hbm>> -> memref<16000xf32, #tpu.memory_space<hbm>>
        tpu.enqueue_dma source(%dma_start3A_135 : memref<16000xf32, #tpu.memory_space<hbm>>) target(%arg7 : memref<16000xf32, #tpu.memory_space<vmem>>) target_semaphore(%arg12 : memref<!tpu.dma_semaphore, #tpu.memory_space<semaphore_mem>>)
      } else {
      }
      %add3A_121 = arith.addf %parallel_loop3A_103#0, %parallel_loop3A_103#1 : vector<16xf32>
      %add3A_122 = arith.addf %parallel_loop3A_103#2, %parallel_loop3A_103#3 : vector<16xf32>
      %add3A_123 = arith.addf %add3A_121, %add3A_122 : vector<16xf32>
      %mul3A_124 = arith.constant 16 : i32
      %mul3A_125 = arith.muli %scan3A_23, %mul3A_124 : i32
      %swap3A = arith.index_cast %mul3A_125 : i32 to index
      %swap3A_126 = tpu.vector_load %arg9[%swap3A] {strides = array<i32>} : memref<1024xf32, #tpu.memory_space<vmem>>, vector<16xf32>,
      tpu.vector_store %arg9[%swap3A], %add3A_123 {strides = array<i32>} : memref<1024xf32, #tpu.memory_space<vmem>>, vector<16xf32>,
    }
    %scan3A_18 = arith.constant 64 : i32
    %mul3A_19 = arith.constant 16 : i32
    %mul3A_20 = arith.muli %mul3A_2, %mul3A_19 : i32
    "tpu.region"() ({
      %run_scoped3A = tpu.sem_alloc : memref<!tpu.dma_semaphore, #tpu.memory_space<semaphore_mem>>
      %dma_start3A_23 = tpu.memref_slice %arg4[%mul3A_20] : memref<32768xf32, #tpu.memory_space<hbm>> -> memref<1024xf32, #tpu.memory_space<hbm>>
      %dma_start3A_24 = tpu.memref_slice %arg4[%mul3A_20] : memref<32768xf32, #tpu.memory_space<hbm>> -> memref<1024xf32, #tpu.memory_space<hbm>>
      tpu.enqueue_dma source(%arg9 : memref<1024xf32, #tpu.memory_space<vmem>>) target(%dma_start3A_24 : memref<1024xf32, #tpu.memory_space<hbm>>) target_semaphore(%run_scoped3A : memref<!tpu.dma_semaphore, #tpu.memory_space<semaphore_mem>>)
      %dma_wait3A = tpu.memref_slice %arg4[%mul3A_20] : memref<32768xf32, #tpu.memory_space<hbm>> -> memref<1024xf32, #tpu.memory_space<hbm>>
      %dma_wait3A_25 = tpu.memref_slice %arg4[%mul3A_20] : memref<32768xf32, #tpu.memory_space<hbm>> -> memref<1024xf32, #tpu.memory_space<hbm>>
      tpu.wait_dma2 semaphore(%run_scoped3A : memref<!tpu.dma_semaphore, #tpu.memory_space<semaphore_mem>>) src(%arg9 : memref<1024xf32, #tpu.memory_space<vmem>>) dst(%dma_wait3A_25 : memref<1024xf32, #tpu.memory_space<hbm>>)
      tpu.yield
    }) : () -> ()
    %mul3A_21 = arith.constant 16 : i32
    %mul3A_22 = arith.muli %mul3A_2, %mul3A_21 : i32
    "tpu.region"() ({
      %run_scoped3A = tpu.sem_alloc : memref<!tpu.dma_semaphore, #tpu.memory_space<semaphore_mem>>
      %dma_start3A_23 = tpu.memref_slice %arg5[%mul3A_22] : memref<32768xf32, #tpu.memory_space<hbm>> -> memref<1024xf32, #tpu.memory_space<hbm>>
      %dma_start3A_24 = tpu.memref_slice %arg5[%mul3A_22] : memref<32768xf32, #tpu.memory_space<hbm>> -> memref<1024xf32, #tpu.memory_space<hbm>>
      tpu.enqueue_dma source(%arg10 : memref<1024xf32, #tpu.memory_space<vmem>>) target(%dma_start3A_24 : memref<1024xf32, #tpu.memory_space<hbm>>) target_semaphore(%run_scoped3A : memref<!tpu.dma_semaphore, #tpu.memory_space<semaphore_mem>>)
      %dma_wait3A = tpu.memref_slice %arg5[%mul3A_22] : memref<32768xf32, #tpu.memory_space<hbm>> -> memref<1024xf32, #tpu.memory_space<hbm>>
      %dma_wait3A_25 = tpu.memref_slice %arg5[%mul3A_22] : memref<32768xf32, #tpu.memory_space<hbm>> -> memref<1024xf32, #tpu.memory_space<hbm>>
      tpu.wait_dma2 semaphore(%run_scoped3A : memref<!tpu.dma_semaphore, #tpu.memory_space<semaphore_mem>>) src(%arg10 : memref<1024xf32, #tpu.memory_space<vmem>>) dst(%dma_wait3A_25 : memref<1024xf32, #tpu.memory_space<hbm>>)
      tpu.yield
    }) : () -> ()
    return
  }
}

module attributes {stable_mosaic.version = 14 : i64} {
  func.func @fk(%arg0: i32, %arg1: memref<16x32000xf32, #tpu.memory_space<vmem>>, %arg2: memref<16x1xi32, #tpu.memory_space<vmem>>, %arg3: memref<1x1xf32, #tpu.memory_space<vmem>>) attributes {dimension_semantics = [#tpu.dimension_semantics<arbitrary>], iteration_bounds = array<i64: 128>, scalar_prefetch = 0 : i64, scratch_operands = 0 : i64, tpu.core_type = #tpu.core_type<tc>, window_params = [{transform_indices = @transform_0, window_bounds = array<i64: 16, 32000>}, {transform_indices = @transform_1, window_bounds = array<i64: 16, 1>}, {pipeline_mode = #tpu.pipeline_mode<synchronous>, transform_indices = @transform_2, window_bounds = array<i64: 1, 1>}]} {
    %eq3A = arith.constant 0 : i32
    %eq3A_0 = arith.cmpi eq, %arg0, %eq3A : i32
    %convert_element_type3A = arith.extui %eq3A_0 : i1 to i32
    %cond3A = arith.constant 0 : i32
    %cond3A_1 = arith.cmpi ne, %convert_element_type3A, %cond3A : i32
    scf.if %cond3A_1 {
      %broadcast_in_dim3A_271 = arith.constant 0.000000e+00 : f32
      %broadcast_in_dim3A_272 = vector.broadcast %broadcast_in_dim3A_271 : f32 to vector<1x1xf32>
      %swap3A_273 = arith.constant 0 : index
      %swap3A_274 = arith.constant 0 : index
      %swap3A_275 = vector.load %arg3[%swap3A_273, %swap3A_274] : memref<1x1xf32, #tpu.memory_space<vmem>>, vector<1x1xf32>
      tpu.vector_store %arg3[%swap3A_273, %swap3A_274], %broadcast_in_dim3A_272 {strides = array<i32>} : memref<1x1xf32, #tpu.memory_space<vmem>>, vector<1x1xf32>,
    } else {
    }
    %get3A = arith.constant 0 : index
    %get3A_2 = arith.constant 0 : index
    %get3A_3 = vector.load %arg1[%get3A, %get3A_2] : memref<16x32000xf32, #tpu.memory_space<vmem>>, vector<16x32000xf32>
    %get3A_4 = arith.constant 0 : index
    %get3A_5 = arith.constant 0 : index
    %get3A_6 = vector.load %arg2[%get3A_4, %get3A_5] : memref<16x1xi32, #tpu.memory_space<vmem>>, vector<16x1xi32>
    %exp3A = math.exp %get3A_3 : vector<16x32000xf32>
    %iota3A = tpu.iota {dimensions = array<i32: 1>} : vector<16x32000xi32>
    %eq3A_7 = vector.broadcast %get3A_6 : vector<16x1xi32> to vector<16x32000xi32>
    %eq3A_8 = arith.cmpi eq, %iota3A, %eq3A_7 : vector<16x32000xi32>
    %jit3A = arith.constant 0.000000e+00 : f32
    %broadcast_in_dim3A = vector.broadcast %jit3A : f32 to vector<16x32000xf32>
    %select_n3A = arith.select %eq3A_8, %get3A_3, %broadcast_in_dim3A : vector<16x32000xi1>, vector<16x32000xf32>
    %slice3A = vector.extract_strided_slice %exp3A {offsets = [0, 0], sizes = [16, 1280], strides = [1, 1]} : vector<16x32000xf32> to vector<16x1280xf32>
    %reduce_sum3A = arith.constant dense<0.000000e+00> : vector<16xf32>
    %reduce_sum3A_9 = vector.multi_reduction <add>, %slice3A, %reduce_sum3A [1] : vector<16x1280xf32> to vector<16xf32>
    %broadcast_in_dim3A_10 = vector.shape_cast %reduce_sum3A_9 : vector<16xf32> to vector<16x1xf32>
    %slice3A_11 = vector.extract_strided_slice %exp3A {offsets = [0, 1280], sizes = [16, 1280], strides = [1, 1]} : vector<16x32000xf32> to vector<16x1280xf32>
    %reduce_sum3A_12 = arith.constant dense<0.000000e+00> : vector<16xf32>
    %reduce_sum3A_13 = vector.multi_reduction <add>, %slice3A_11, %reduce_sum3A_12 [1] : vector<16x1280xf32> to vector<16xf32>
    %broadcast_in_dim3A_14 = vector.shape_cast %reduce_sum3A_13 : vector<16xf32> to vector<16x1xf32>
    %slice3A_15 = vector.extract_strided_slice %exp3A {offsets = [0, 2560], sizes = [16, 1280], strides = [1, 1]} : vector<16x32000xf32> to vector<16x1280xf32>
    %reduce_sum3A_16 = arith.constant dense<0.000000e+00> : vector<16xf32>
    %reduce_sum3A_17 = vector.multi_reduction <add>, %slice3A_15, %reduce_sum3A_16 [1] : vector<16x1280xf32> to vector<16xf32>
    %broadcast_in_dim3A_18 = vector.shape_cast %reduce_sum3A_17 : vector<16xf32> to vector<16x1xf32>
    %slice3A_19 = vector.extract_strided_slice %exp3A {offsets = [0, 3840], sizes = [16, 1280], strides = [1, 1]} : vector<16x32000xf32> to vector<16x1280xf32>
    %reduce_sum3A_20 = arith.constant dense<0.000000e+00> : vector<16xf32>
    %reduce_sum3A_21 = vector.multi_reduction <add>, %slice3A_19, %reduce_sum3A_20 [1] : vector<16x1280xf32> to vector<16xf32>
    %broadcast_in_dim3A_22 = vector.shape_cast %reduce_sum3A_21 : vector<16xf32> to vector<16x1xf32>
    %slice3A_23 = vector.extract_strided_slice %exp3A {offsets = [0, 5120], sizes = [16, 1280], strides = [1, 1]} : vector<16x32000xf32> to vector<16x1280xf32>
    %reduce_sum3A_24 = arith.constant dense<0.000000e+00> : vector<16xf32>
    %reduce_sum3A_25 = vector.multi_reduction <add>, %slice3A_23, %reduce_sum3A_24 [1] : vector<16x1280xf32> to vector<16xf32>
    %broadcast_in_dim3A_26 = vector.shape_cast %reduce_sum3A_25 : vector<16xf32> to vector<16x1xf32>
    %slice3A_27 = vector.extract_strided_slice %exp3A {offsets = [0, 6400], sizes = [16, 1280], strides = [1, 1]} : vector<16x32000xf32> to vector<16x1280xf32>
    %reduce_sum3A_28 = arith.constant dense<0.000000e+00> : vector<16xf32>
    %reduce_sum3A_29 = vector.multi_reduction <add>, %slice3A_27, %reduce_sum3A_28 [1] : vector<16x1280xf32> to vector<16xf32>
    %broadcast_in_dim3A_30 = vector.shape_cast %reduce_sum3A_29 : vector<16xf32> to vector<16x1xf32>
    %slice3A_31 = vector.extract_strided_slice %exp3A {offsets = [0, 7680], sizes = [16, 1280], strides = [1, 1]} : vector<16x32000xf32> to vector<16x1280xf32>
    %reduce_sum3A_32 = arith.constant dense<0.000000e+00> : vector<16xf32>
    %reduce_sum3A_33 = vector.multi_reduction <add>, %slice3A_31, %reduce_sum3A_32 [1] : vector<16x1280xf32> to vector<16xf32>
    %broadcast_in_dim3A_34 = vector.shape_cast %reduce_sum3A_33 : vector<16xf32> to vector<16x1xf32>
    %slice3A_35 = vector.extract_strided_slice %exp3A {offsets = [0, 8960], sizes = [16, 1280], strides = [1, 1]} : vector<16x32000xf32> to vector<16x1280xf32>
    %reduce_sum3A_36 = arith.constant dense<0.000000e+00> : vector<16xf32>
    %reduce_sum3A_37 = vector.multi_reduction <add>, %slice3A_35, %reduce_sum3A_36 [1] : vector<16x1280xf32> to vector<16xf32>
    %broadcast_in_dim3A_38 = vector.shape_cast %reduce_sum3A_37 : vector<16xf32> to vector<16x1xf32>
    %slice3A_39 = vector.extract_strided_slice %exp3A {offsets = [0, 10240], sizes = [16, 1280], strides = [1, 1]} : vector<16x32000xf32> to vector<16x1280xf32>
    %reduce_sum3A_40 = arith.constant dense<0.000000e+00> : vector<16xf32>
    %reduce_sum3A_41 = vector.multi_reduction <add>, %slice3A_39, %reduce_sum3A_40 [1] : vector<16x1280xf32> to vector<16xf32>
    %broadcast_in_dim3A_42 = vector.shape_cast %reduce_sum3A_41 : vector<16xf32> to vector<16x1xf32>
    %slice3A_43 = vector.extract_strided_slice %exp3A {offsets = [0, 11520], sizes = [16, 1280], strides = [1, 1]} : vector<16x32000xf32> to vector<16x1280xf32>
    %reduce_sum3A_44 = arith.constant dense<0.000000e+00> : vector<16xf32>
    %reduce_sum3A_45 = vector.multi_reduction <add>, %slice3A_43, %reduce_sum3A_44 [1] : vector<16x1280xf32> to vector<16xf32>
    %broadcast_in_dim3A_46 = vector.shape_cast %reduce_sum3A_45 : vector<16xf32> to vector<16x1xf32>
    %slice3A_47 = vector.extract_strided_slice %exp3A {offsets = [0, 12800], sizes = [16, 1280], strides = [1, 1]} : vector<16x32000xf32> to vector<16x1280xf32>
    %reduce_sum3A_48 = arith.constant dense<0.000000e+00> : vector<16xf32>
    %reduce_sum3A_49 = vector.multi_reduction <add>, %slice3A_47, %reduce_sum3A_48 [1] : vector<16x1280xf32> to vector<16xf32>
    %broadcast_in_dim3A_50 = vector.shape_cast %reduce_sum3A_49 : vector<16xf32> to vector<16x1xf32>
    %slice3A_51 = vector.extract_strided_slice %exp3A {offsets = [0, 14080], sizes = [16, 1280], strides = [1, 1]} : vector<16x32000xf32> to vector<16x1280xf32>
    %reduce_sum3A_52 = arith.constant dense<0.000000e+00> : vector<16xf32>
    %reduce_sum3A_53 = vector.multi_reduction <add>, %slice3A_51, %reduce_sum3A_52 [1] : vector<16x1280xf32> to vector<16xf32>
    %broadcast_in_dim3A_54 = vector.shape_cast %reduce_sum3A_53 : vector<16xf32> to vector<16x1xf32>
    %slice3A_55 = vector.extract_strided_slice %exp3A {offsets = [0, 15360], sizes = [16, 1280], strides = [1, 1]} : vector<16x32000xf32> to vector<16x1280xf32>
    %reduce_sum3A_56 = arith.constant dense<0.000000e+00> : vector<16xf32>
    %reduce_sum3A_57 = vector.multi_reduction <add>, %slice3A_55, %reduce_sum3A_56 [1] : vector<16x1280xf32> to vector<16xf32>
    %broadcast_in_dim3A_58 = vector.shape_cast %reduce_sum3A_57 : vector<16xf32> to vector<16x1xf32>
    %slice3A_59 = vector.extract_strided_slice %exp3A {offsets = [0, 16640], sizes = [16, 1280], strides = [1, 1]} : vector<16x32000xf32> to vector<16x1280xf32>
    %reduce_sum3A_60 = arith.constant dense<0.000000e+00> : vector<16xf32>
    %reduce_sum3A_61 = vector.multi_reduction <add>, %slice3A_59, %reduce_sum3A_60 [1] : vector<16x1280xf32> to vector<16xf32>
    %broadcast_in_dim3A_62 = vector.shape_cast %reduce_sum3A_61 : vector<16xf32> to vector<16x1xf32>
    %slice3A_63 = vector.extract_strided_slice %exp3A {offsets = [0, 17920], sizes = [16, 1280], strides = [1, 1]} : vector<16x32000xf32> to vector<16x1280xf32>
    %reduce_sum3A_64 = arith.constant dense<0.000000e+00> : vector<16xf32>
    %reduce_sum3A_65 = vector.multi_reduction <add>, %slice3A_63, %reduce_sum3A_64 [1] : vector<16x1280xf32> to vector<16xf32>
    %broadcast_in_dim3A_66 = vector.shape_cast %reduce_sum3A_65 : vector<16xf32> to vector<16x1xf32>
    %slice3A_67 = vector.extract_strided_slice %exp3A {offsets = [0, 19200], sizes = [16, 1280], strides = [1, 1]} : vector<16x32000xf32> to vector<16x1280xf32>
    %reduce_sum3A_68 = arith.constant dense<0.000000e+00> : vector<16xf32>
    %reduce_sum3A_69 = vector.multi_reduction <add>, %slice3A_67, %reduce_sum3A_68 [1] : vector<16x1280xf32> to vector<16xf32>
    %broadcast_in_dim3A_70 = vector.shape_cast %reduce_sum3A_69 : vector<16xf32> to vector<16x1xf32>
    %slice3A_71 = vector.extract_strided_slice %exp3A {offsets = [0, 20480], sizes = [16, 1280], strides = [1, 1]} : vector<16x32000xf32> to vector<16x1280xf32>
    %reduce_sum3A_72 = arith.constant dense<0.000000e+00> : vector<16xf32>
    %reduce_sum3A_73 = vector.multi_reduction <add>, %slice3A_71, %reduce_sum3A_72 [1] : vector<16x1280xf32> to vector<16xf32>
    %broadcast_in_dim3A_74 = vector.shape_cast %reduce_sum3A_73 : vector<16xf32> to vector<16x1xf32>
    %slice3A_75 = vector.extract_strided_slice %exp3A {offsets = [0, 21760], sizes = [16, 1280], strides = [1, 1]} : vector<16x32000xf32> to vector<16x1280xf32>
    %reduce_sum3A_76 = arith.constant dense<0.000000e+00> : vector<16xf32>
    %reduce_sum3A_77 = vector.multi_reduction <add>, %slice3A_75, %reduce_sum3A_76 [1] : vector<16x1280xf32> to vector<16xf32>
    %broadcast_in_dim3A_78 = vector.shape_cast %reduce_sum3A_77 : vector<16xf32> to vector<16x1xf32>
    %slice3A_79 = vector.extract_strided_slice %exp3A {offsets = [0, 23040], sizes = [16, 1280], strides = [1, 1]} : vector<16x32000xf32> to vector<16x1280xf32>
    %reduce_sum3A_80 = arith.constant dense<0.000000e+00> : vector<16xf32>
    %reduce_sum3A_81 = vector.multi_reduction <add>, %slice3A_79, %reduce_sum3A_80 [1] : vector<16x1280xf32> to vector<16xf32>
    %broadcast_in_dim3A_82 = vector.shape_cast %reduce_sum3A_81 : vector<16xf32> to vector<16x1xf32>
    %slice3A_83 = vector.extract_strided_slice %exp3A {offsets = [0, 24320], sizes = [16, 1280], strides = [1, 1]} : vector<16x32000xf32> to vector<16x1280xf32>
    %reduce_sum3A_84 = arith.constant dense<0.000000e+00> : vector<16xf32>
    %reduce_sum3A_85 = vector.multi_reduction <add>, %slice3A_83, %reduce_sum3A_84 [1] : vector<16x1280xf32> to vector<16xf32>
    %broadcast_in_dim3A_86 = vector.shape_cast %reduce_sum3A_85 : vector<16xf32> to vector<16x1xf32>
    %slice3A_87 = vector.extract_strided_slice %exp3A {offsets = [0, 25600], sizes = [16, 1280], strides = [1, 1]} : vector<16x32000xf32> to vector<16x1280xf32>
    %reduce_sum3A_88 = arith.constant dense<0.000000e+00> : vector<16xf32>
    %reduce_sum3A_89 = vector.multi_reduction <add>, %slice3A_87, %reduce_sum3A_88 [1] : vector<16x1280xf32> to vector<16xf32>
    %broadcast_in_dim3A_90 = vector.shape_cast %reduce_sum3A_89 : vector<16xf32> to vector<16x1xf32>
    %slice3A_91 = vector.extract_strided_slice %exp3A {offsets = [0, 26880], sizes = [16, 1280], strides = [1, 1]} : vector<16x32000xf32> to vector<16x1280xf32>
    %reduce_sum3A_92 = arith.constant dense<0.000000e+00> : vector<16xf32>
    %reduce_sum3A_93 = vector.multi_reduction <add>, %slice3A_91, %reduce_sum3A_92 [1] : vector<16x1280xf32> to vector<16xf32>
    %broadcast_in_dim3A_94 = vector.shape_cast %reduce_sum3A_93 : vector<16xf32> to vector<16x1xf32>
    %slice3A_95 = vector.extract_strided_slice %exp3A {offsets = [0, 28160], sizes = [16, 1280], strides = [1, 1]} : vector<16x32000xf32> to vector<16x1280xf32>
    %reduce_sum3A_96 = arith.constant dense<0.000000e+00> : vector<16xf32>
    %reduce_sum3A_97 = vector.multi_reduction <add>, %slice3A_95, %reduce_sum3A_96 [1] : vector<16x1280xf32> to vector<16xf32>
    %broadcast_in_dim3A_98 = vector.shape_cast %reduce_sum3A_97 : vector<16xf32> to vector<16x1xf32>
    %slice3A_99 = vector.extract_strided_slice %exp3A {offsets = [0, 29440], sizes = [16, 1280], strides = [1, 1]} : vector<16x32000xf32> to vector<16x1280xf32>
    %reduce_sum3A_100 = arith.constant dense<0.000000e+00> : vector<16xf32>
    %reduce_sum3A_101 = vector.multi_reduction <add>, %slice3A_99, %reduce_sum3A_100 [1] : vector<16x1280xf32> to vector<16xf32>
    %broadcast_in_dim3A_102 = vector.shape_cast %reduce_sum3A_101 : vector<16xf32> to vector<16x1xf32>
    %slice3A_103 = vector.extract_strided_slice %exp3A {offsets = [0, 30720], sizes = [16, 1280], strides = [1, 1]} : vector<16x32000xf32> to vector<16x1280xf32>
    %reduce_sum3A_104 = arith.constant dense<0.000000e+00> : vector<16xf32>
    %reduce_sum3A_105 = vector.multi_reduction <add>, %slice3A_103, %reduce_sum3A_104 [1] : vector<16x1280xf32> to vector<16xf32>
    %broadcast_in_dim3A_106 = vector.shape_cast %reduce_sum3A_105 : vector<16xf32> to vector<16x1xf32>
    %slice3A_107 = vector.extract_strided_slice %select_n3A {offsets = [0, 0], sizes = [16, 1280], strides = [1, 1]} : vector<16x32000xf32> to vector<16x1280xf32>
    %reduce_sum3A_108 = arith.constant dense<0.000000e+00> : vector<16xf32>
    %reduce_sum3A_109 = vector.multi_reduction <add>, %slice3A_107, %reduce_sum3A_108 [1] : vector<16x1280xf32> to vector<16xf32>
    %broadcast_in_dim3A_110 = vector.shape_cast %reduce_sum3A_109 : vector<16xf32> to vector<16x1xf32>
    %slice3A_111 = vector.extract_strided_slice %select_n3A {offsets = [0, 1280], sizes = [16, 1280], strides = [1, 1]} : vector<16x32000xf32> to vector<16x1280xf32>
    %reduce_sum3A_112 = arith.constant dense<0.000000e+00> : vector<16xf32>
    %reduce_sum3A_113 = vector.multi_reduction <add>, %slice3A_111, %reduce_sum3A_112 [1] : vector<16x1280xf32> to vector<16xf32>
    %broadcast_in_dim3A_114 = vector.shape_cast %reduce_sum3A_113 : vector<16xf32> to vector<16x1xf32>
    %slice3A_115 = vector.extract_strided_slice %select_n3A {offsets = [0, 2560], sizes = [16, 1280], strides = [1, 1]} : vector<16x32000xf32> to vector<16x1280xf32>
    %reduce_sum3A_116 = arith.constant dense<0.000000e+00> : vector<16xf32>
    %reduce_sum3A_117 = vector.multi_reduction <add>, %slice3A_115, %reduce_sum3A_116 [1] : vector<16x1280xf32> to vector<16xf32>
    %broadcast_in_dim3A_118 = vector.shape_cast %reduce_sum3A_117 : vector<16xf32> to vector<16x1xf32>
    %slice3A_119 = vector.extract_strided_slice %select_n3A {offsets = [0, 3840], sizes = [16, 1280], strides = [1, 1]} : vector<16x32000xf32> to vector<16x1280xf32>
    %reduce_sum3A_120 = arith.constant dense<0.000000e+00> : vector<16xf32>
    %reduce_sum3A_121 = vector.multi_reduction <add>, %slice3A_119, %reduce_sum3A_120 [1] : vector<16x1280xf32> to vector<16xf32>
    %broadcast_in_dim3A_122 = vector.shape_cast %reduce_sum3A_121 : vector<16xf32> to vector<16x1xf32>
    %slice3A_123 = vector.extract_strided_slice %select_n3A {offsets = [0, 5120], sizes = [16, 1280], strides = [1, 1]} : vector<16x32000xf32> to vector<16x1280xf32>
    %reduce_sum3A_124 = arith.constant dense<0.000000e+00> : vector<16xf32>
    %reduce_sum3A_125 = vector.multi_reduction <add>, %slice3A_123, %reduce_sum3A_124 [1] : vector<16x1280xf32> to vector<16xf32>
    %broadcast_in_dim3A_126 = vector.shape_cast %reduce_sum3A_125 : vector<16xf32> to vector<16x1xf32>
    %slice3A_127 = vector.extract_strided_slice %select_n3A {offsets = [0, 6400], sizes = [16, 1280], strides = [1, 1]} : vector<16x32000xf32> to vector<16x1280xf32>
    %reduce_sum3A_128 = arith.constant dense<0.000000e+00> : vector<16xf32>
    %reduce_sum3A_129 = vector.multi_reduction <add>, %slice3A_127, %reduce_sum3A_128 [1] : vector<16x1280xf32> to vector<16xf32>
    %broadcast_in_dim3A_130 = vector.shape_cast %reduce_sum3A_129 : vector<16xf32> to vector<16x1xf32>
    %slice3A_131 = vector.extract_strided_slice %select_n3A {offsets = [0, 7680], sizes = [16, 1280], strides = [1, 1]} : vector<16x32000xf32> to vector<16x1280xf32>
    %reduce_sum3A_132 = arith.constant dense<0.000000e+00> : vector<16xf32>
    %reduce_sum3A_133 = vector.multi_reduction <add>, %slice3A_131, %reduce_sum3A_132 [1] : vector<16x1280xf32> to vector<16xf32>
    %broadcast_in_dim3A_134 = vector.shape_cast %reduce_sum3A_133 : vector<16xf32> to vector<16x1xf32>
    %slice3A_135 = vector.extract_strided_slice %select_n3A {offsets = [0, 8960], sizes = [16, 1280], strides = [1, 1]} : vector<16x32000xf32> to vector<16x1280xf32>
    %reduce_sum3A_136 = arith.constant dense<0.000000e+00> : vector<16xf32>
    %reduce_sum3A_137 = vector.multi_reduction <add>, %slice3A_135, %reduce_sum3A_136 [1] : vector<16x1280xf32> to vector<16xf32>
    %broadcast_in_dim3A_138 = vector.shape_cast %reduce_sum3A_137 : vector<16xf32> to vector<16x1xf32>
    %slice3A_139 = vector.extract_strided_slice %select_n3A {offsets = [0, 10240], sizes = [16, 1280], strides = [1, 1]} : vector<16x32000xf32> to vector<16x1280xf32>
    %reduce_sum3A_140 = arith.constant dense<0.000000e+00> : vector<16xf32>
    %reduce_sum3A_141 = vector.multi_reduction <add>, %slice3A_139, %reduce_sum3A_140 [1] : vector<16x1280xf32> to vector<16xf32>
    %broadcast_in_dim3A_142 = vector.shape_cast %reduce_sum3A_141 : vector<16xf32> to vector<16x1xf32>
    %slice3A_143 = vector.extract_strided_slice %select_n3A {offsets = [0, 11520], sizes = [16, 1280], strides = [1, 1]} : vector<16x32000xf32> to vector<16x1280xf32>
    %reduce_sum3A_144 = arith.constant dense<0.000000e+00> : vector<16xf32>
    %reduce_sum3A_145 = vector.multi_reduction <add>, %slice3A_143, %reduce_sum3A_144 [1] : vector<16x1280xf32> to vector<16xf32>
    %broadcast_in_dim3A_146 = vector.shape_cast %reduce_sum3A_145 : vector<16xf32> to vector<16x1xf32>
    %slice3A_147 = vector.extract_strided_slice %select_n3A {offsets = [0, 12800], sizes = [16, 1280], strides = [1, 1]} : vector<16x32000xf32> to vector<16x1280xf32>
    %reduce_sum3A_148 = arith.constant dense<0.000000e+00> : vector<16xf32>
    %reduce_sum3A_149 = vector.multi_reduction <add>, %slice3A_147, %reduce_sum3A_148 [1] : vector<16x1280xf32> to vector<16xf32>
    %broadcast_in_dim3A_150 = vector.shape_cast %reduce_sum3A_149 : vector<16xf32> to vector<16x1xf32>
    %slice3A_151 = vector.extract_strided_slice %select_n3A {offsets = [0, 14080], sizes = [16, 1280], strides = [1, 1]} : vector<16x32000xf32> to vector<16x1280xf32>
    %reduce_sum3A_152 = arith.constant dense<0.000000e+00> : vector<16xf32>
    %reduce_sum3A_153 = vector.multi_reduction <add>, %slice3A_151, %reduce_sum3A_152 [1] : vector<16x1280xf32> to vector<16xf32>
    %broadcast_in_dim3A_154 = vector.shape_cast %reduce_sum3A_153 : vector<16xf32> to vector<16x1xf32>
    %slice3A_155 = vector.extract_strided_slice %select_n3A {offsets = [0, 15360], sizes = [16, 1280], strides = [1, 1]} : vector<16x32000xf32> to vector<16x1280xf32>
    %reduce_sum3A_156 = arith.constant dense<0.000000e+00> : vector<16xf32>
    %reduce_sum3A_157 = vector.multi_reduction <add>, %slice3A_155, %reduce_sum3A_156 [1] : vector<16x1280xf32> to vector<16xf32>
    %broadcast_in_dim3A_158 = vector.shape_cast %reduce_sum3A_157 : vector<16xf32> to vector<16x1xf32>
    %slice3A_159 = vector.extract_strided_slice %select_n3A {offsets = [0, 16640], sizes = [16, 1280], strides = [1, 1]} : vector<16x32000xf32> to vector<16x1280xf32>
    %reduce_sum3A_160 = arith.constant dense<0.000000e+00> : vector<16xf32>
    %reduce_sum3A_161 = vector.multi_reduction <add>, %slice3A_159, %reduce_sum3A_160 [1] : vector<16x1280xf32> to vector<16xf32>
    %broadcast_in_dim3A_162 = vector.shape_cast %reduce_sum3A_161 : vector<16xf32> to vector<16x1xf32>
    %slice3A_163 = vector.extract_strided_slice %select_n3A {offsets = [0, 17920], sizes = [16, 1280], strides = [1, 1]} : vector<16x32000xf32> to vector<16x1280xf32>
    %reduce_sum3A_164 = arith.constant dense<0.000000e+00> : vector<16xf32>
    %reduce_sum3A_165 = vector.multi_reduction <add>, %slice3A_163, %reduce_sum3A_164 [1] : vector<16x1280xf32> to vector<16xf32>
    %broadcast_in_dim3A_166 = vector.shape_cast %reduce_sum3A_165 : vector<16xf32> to vector<16x1xf32>
    %slice3A_167 = vector.extract_strided_slice %select_n3A {offsets = [0, 19200], sizes = [16, 1280], strides = [1, 1]} : vector<16x32000xf32> to vector<16x1280xf32>
    %reduce_sum3A_168 = arith.constant dense<0.000000e+00> : vector<16xf32>
    %reduce_sum3A_169 = vector.multi_reduction <add>, %slice3A_167, %reduce_sum3A_168 [1] : vector<16x1280xf32> to vector<16xf32>
    %broadcast_in_dim3A_170 = vector.shape_cast %reduce_sum3A_169 : vector<16xf32> to vector<16x1xf32>
    %slice3A_171 = vector.extract_strided_slice %select_n3A {offsets = [0, 20480], sizes = [16, 1280], strides = [1, 1]} : vector<16x32000xf32> to vector<16x1280xf32>
    %reduce_sum3A_172 = arith.constant dense<0.000000e+00> : vector<16xf32>
    %reduce_sum3A_173 = vector.multi_reduction <add>, %slice3A_171, %reduce_sum3A_172 [1] : vector<16x1280xf32> to vector<16xf32>
    %broadcast_in_dim3A_174 = vector.shape_cast %reduce_sum3A_173 : vector<16xf32> to vector<16x1xf32>
    %slice3A_175 = vector.extract_strided_slice %select_n3A {offsets = [0, 21760], sizes = [16, 1280], strides = [1, 1]} : vector<16x32000xf32> to vector<16x1280xf32>
    %reduce_sum3A_176 = arith.constant dense<0.000000e+00> : vector<16xf32>
    %reduce_sum3A_177 = vector.multi_reduction <add>, %slice3A_175, %reduce_sum3A_176 [1] : vector<16x1280xf32> to vector<16xf32>
    %broadcast_in_dim3A_178 = vector.shape_cast %reduce_sum3A_177 : vector<16xf32> to vector<16x1xf32>
    %slice3A_179 = vector.extract_strided_slice %select_n3A {offsets = [0, 23040], sizes = [16, 1280], strides = [1, 1]} : vector<16x32000xf32> to vector<16x1280xf32>
    %reduce_sum3A_180 = arith.constant dense<0.000000e+00> : vector<16xf32>
    %reduce_sum3A_181 = vector.multi_reduction <add>, %slice3A_179, %reduce_sum3A_180 [1] : vector<16x1280xf32> to vector<16xf32>
    %broadcast_in_dim3A_182 = vector.shape_cast %reduce_sum3A_181 : vector<16xf32> to vector<16x1xf32>
    %slice3A_183 = vector.extract_strided_slice %select_n3A {offsets = [0, 24320], sizes = [16, 1280], strides = [1, 1]} : vector<16x32000xf32> to vector<16x1280xf32>
    %reduce_sum3A_184 = arith.constant dense<0.000000e+00> : vector<16xf32>
    %reduce_sum3A_185 = vector.multi_reduction <add>, %slice3A_183, %reduce_sum3A_184 [1] : vector<16x1280xf32> to vector<16xf32>
    %broadcast_in_dim3A_186 = vector.shape_cast %reduce_sum3A_185 : vector<16xf32> to vector<16x1xf32>
    %slice3A_187 = vector.extract_strided_slice %select_n3A {offsets = [0, 25600], sizes = [16, 1280], strides = [1, 1]} : vector<16x32000xf32> to vector<16x1280xf32>
    %reduce_sum3A_188 = arith.constant dense<0.000000e+00> : vector<16xf32>
    %reduce_sum3A_189 = vector.multi_reduction <add>, %slice3A_187, %reduce_sum3A_188 [1] : vector<16x1280xf32> to vector<16xf32>
    %broadcast_in_dim3A_190 = vector.shape_cast %reduce_sum3A_189 : vector<16xf32> to vector<16x1xf32>
    %slice3A_191 = vector.extract_strided_slice %select_n3A {offsets = [0, 26880], sizes = [16, 1280], strides = [1, 1]} : vector<16x32000xf32> to vector<16x1280xf32>
    %reduce_sum3A_192 = arith.constant dense<0.000000e+00> : vector<16xf32>
    %reduce_sum3A_193 = vector.multi_reduction <add>, %slice3A_191, %reduce_sum3A_192 [1] : vector<16x1280xf32> to vector<16xf32>
    %broadcast_in_dim3A_194 = vector.shape_cast %reduce_sum3A_193 : vector<16xf32> to vector<16x1xf32>
    %slice3A_195 = vector.extract_strided_slice %select_n3A {offsets = [0, 28160], sizes = [16, 1280], strides = [1, 1]} : vector<16x32000xf32> to vector<16x1280xf32>
    %reduce_sum3A_196 = arith.constant dense<0.000000e+00> : vector<16xf32>
    %reduce_sum3A_197 = vector.multi_reduction <add>, %slice3A_195, %reduce_sum3A_196 [1] : vector<16x1280xf32> to vector<16xf32>
    %broadcast_in_dim3A_198 = vector.shape_cast %reduce_sum3A_197 : vector<16xf32> to vector<16x1xf32>
    %slice3A_199 = vector.extract_strided_slice %select_n3A {offsets = [0, 29440], sizes = [16, 1280], strides = [1, 1]} : vector<16x32000xf32> to vector<16x1280xf32>
    %reduce_sum3A_200 = arith.constant dense<0.000000e+00> : vector<16xf32>
    %reduce_sum3A_201 = vector.multi_reduction <add>, %slice3A_199, %reduce_sum3A_200 [1] : vector<16x1280xf32> to vector<16xf32>
    %broadcast_in_dim3A_202 = vector.shape_cast %reduce_sum3A_201 : vector<16xf32> to vector<16x1xf32>
    %slice3A_203 = vector.extract_strided_slice %select_n3A {offsets = [0, 30720], sizes = [16, 1280], strides = [1, 1]} : vector<16x32000xf32> to vector<16x1280xf32>
    %reduce_sum3A_204 = arith.constant dense<0.000000e+00> : vector<16xf32>
    %reduce_sum3A_205 = vector.multi_reduction <add>, %slice3A_203, %reduce_sum3A_204 [1] : vector<16x1280xf32> to vector<16xf32>
    %broadcast_in_dim3A_206 = vector.shape_cast %reduce_sum3A_205 : vector<16xf32> to vector<16x1xf32>
    %add3A = arith.addf %broadcast_in_dim3A_10, %broadcast_in_dim3A_14 : vector<16x1xf32>
    %add3A_207 = arith.addf %broadcast_in_dim3A_18, %broadcast_in_dim3A_22 : vector<16x1xf32>
    %add3A_208 = arith.addf %broadcast_in_dim3A_26, %broadcast_in_dim3A_30 : vector<16x1xf32>
    %add3A_209 = arith.addf %broadcast_in_dim3A_34, %broadcast_in_dim3A_38 : vector<16x1xf32>
    %add3A_210 = arith.addf %broadcast_in_dim3A_42, %broadcast_in_dim3A_46 : vector<16x1xf32>
    %add3A_211 = arith.addf %broadcast_in_dim3A_50, %broadcast_in_dim3A_54 : vector<16x1xf32>
    %add3A_212 = arith.addf %broadcast_in_dim3A_58, %broadcast_in_dim3A_62 : vector<16x1xf32>
    %add3A_213 = arith.addf %broadcast_in_dim3A_66, %broadcast_in_dim3A_70 : vector<16x1xf32>
    %add3A_214 = arith.addf %broadcast_in_dim3A_74, %broadcast_in_dim3A_78 : vector<16x1xf32>
    %add3A_215 = arith.addf %broadcast_in_dim3A_82, %broadcast_in_dim3A_86 : vector<16x1xf32>
    %add3A_216 = arith.addf %broadcast_in_dim3A_90, %broadcast_in_dim3A_94 : vector<16x1xf32>
    %add3A_217 = arith.addf %broadcast_in_dim3A_98, %broadcast_in_dim3A_102 : vector<16x1xf32>
    %add3A_218 = arith.addf %add3A, %add3A_207 : vector<16x1xf32>
    %add3A_219 = arith.addf %add3A_208, %add3A_209 : vector<16x1xf32>
    %add3A_220 = arith.addf %add3A_210, %add3A_211 : vector<16x1xf32>
    %add3A_221 = arith.addf %add3A_212, %add3A_213 : vector<16x1xf32>
    %add3A_222 = arith.addf %add3A_214, %add3A_215 : vector<16x1xf32>
    %add3A_223 = arith.addf %add3A_216, %add3A_217 : vector<16x1xf32>
    %add3A_224 = arith.addf %add3A_218, %add3A_219 : vector<16x1xf32>
    %add3A_225 = arith.addf %add3A_220, %add3A_221 : vector<16x1xf32>
    %add3A_226 = arith.addf %add3A_222, %add3A_223 : vector<16x1xf32>
    %add3A_227 = arith.addf %add3A_224, %add3A_225 : vector<16x1xf32>
    %add3A_228 = arith.addf %add3A_226, %broadcast_in_dim3A_106 : vector<16x1xf32>
    %add3A_229 = arith.addf %add3A_227, %add3A_228 : vector<16x1xf32>
    %add3A_230 = arith.addf %broadcast_in_dim3A_110, %broadcast_in_dim3A_114 : vector<16x1xf32>
    %add3A_231 = arith.addf %broadcast_in_dim3A_118, %broadcast_in_dim3A_122 : vector<16x1xf32>
    %add3A_232 = arith.addf %broadcast_in_dim3A_126, %broadcast_in_dim3A_130 : vector<16x1xf32>
    %add3A_233 = arith.addf %broadcast_in_dim3A_134, %broadcast_in_dim3A_138 : vector<16x1xf32>
    %add3A_234 = arith.addf %broadcast_in_dim3A_142, %broadcast_in_dim3A_146 : vector<16x1xf32>
    %add3A_235 = arith.addf %broadcast_in_dim3A_150, %broadcast_in_dim3A_154 : vector<16x1xf32>
    %add3A_236 = arith.addf %broadcast_in_dim3A_158, %broadcast_in_dim3A_162 : vector<16x1xf32>
    %add3A_237 = arith.addf %broadcast_in_dim3A_166, %broadcast_in_dim3A_170 : vector<16x1xf32>
    %add3A_238 = arith.addf %broadcast_in_dim3A_174, %broadcast_in_dim3A_178 : vector<16x1xf32>
    %add3A_239 = arith.addf %broadcast_in_dim3A_182, %broadcast_in_dim3A_186 : vector<16x1xf32>
    %add3A_240 = arith.addf %broadcast_in_dim3A_190, %broadcast_in_dim3A_194 : vector<16x1xf32>
    %add3A_241 = arith.addf %broadcast_in_dim3A_198, %broadcast_in_dim3A_202 : vector<16x1xf32>
    %add3A_242 = arith.addf %add3A_230, %add3A_231 : vector<16x1xf32>
    %add3A_243 = arith.addf %add3A_232, %add3A_233 : vector<16x1xf32>
    %add3A_244 = arith.addf %add3A_234, %add3A_235 : vector<16x1xf32>
    %add3A_245 = arith.addf %add3A_236, %add3A_237 : vector<16x1xf32>
    %add3A_246 = arith.addf %add3A_238, %add3A_239 : vector<16x1xf32>
    %add3A_247 = arith.addf %add3A_240, %add3A_241 : vector<16x1xf32>
    %add3A_248 = arith.addf %add3A_242, %add3A_243 : vector<16x1xf32>
    %add3A_249 = arith.addf %add3A_244, %add3A_245 : vector<16x1xf32>
    %add3A_250 = arith.addf %add3A_246, %add3A_247 : vector<16x1xf32>
    %add3A_251 = arith.addf %add3A_248, %add3A_249 : vector<16x1xf32>
    %add3A_252 = arith.addf %add3A_250, %broadcast_in_dim3A_206 : vector<16x1xf32>
    %add3A_253 = arith.addf %add3A_251, %add3A_252 : vector<16x1xf32>
    %ne3A = arith.constant 0 : i32
    %ne3A_254 = vector.broadcast %ne3A : i32 to vector<16x1xi32>
    %ne3A_255 = arith.cmpi ne, %get3A_6, %ne3A_254 : vector<16x1xi32>
    %log3A = math.log %add3A_229 : vector<16x1xf32>
    %sub3A = arith.subf %log3A, %add3A_253 : vector<16x1xf32>
    %jit3A_256 = arith.constant 0.000000e+00 : f32
    %broadcast_in_dim3A_257 = vector.broadcast %jit3A_256 : f32 to vector<16x1xf32>
    %select_n3A_258 = arith.select %ne3A_255, %sub3A, %broadcast_in_dim3A_257 : vector<16x1xi1>, vector<16x1xf32>
    %get3A_259 = arith.constant 0 : index
    %get3A_260 = arith.constant 0 : index
    %get3A_261 = vector.load %arg3[%get3A_259, %get3A_260] : memref<1x1xf32, #tpu.memory_space<vmem>>, vector<1x1xf32>
    %reduce_sum3A_262 = vector.shape_cast %select_n3A_258 : vector<16x1xf32> to vector<1x16x1xf32>
    %reduce_sum3A_263 = arith.constant dense<0.000000e+00> : vector<1xf32>
    %reduce_sum3A_264 = vector.multi_reduction <add>, %reduce_sum3A_262, %reduce_sum3A_263 [1, 2] : vector<1x16x1xf32> to vector<1xf32>
    %reduce_sum3A_265 = vector.shape_cast %reduce_sum3A_264 : vector<1xf32> to vector<1x1x1xf32>
    %reduce_sum3A_266 = vector.extract %reduce_sum3A_265[0, 0, 0] : f32 from vector<1x1x1xf32>
    %broadcast_in_dim3A_267 = vector.broadcast %reduce_sum3A_266 : f32 to vector<1x1xf32>
    %add3A_268 = arith.addf %get3A_261, %broadcast_in_dim3A_267 : vector<1x1xf32>
    %swap3A = arith.constant 0 : index
    %swap3A_269 = arith.constant 0 : index
    %swap3A_270 = vector.load %arg3[%swap3A, %swap3A_269] : memref<1x1xf32, #tpu.memory_space<vmem>>, vector<1x1xf32>
    tpu.vector_store %arg3[%swap3A, %swap3A_269], %add3A_268 {strides = array<i32>} : memref<1x1xf32, #tpu.memory_space<vmem>>, vector<1x1xf32>,
    return
  }
  func.func @transform_0(%arg0: i32) -> (i32, i32) {
    %add3A = arith.constant 128 : i32
    %add3A_0 = arith.addi %add3A, %arg0 : i32
    %c0_i32 = arith.constant 0 : i32
    %c0_i32_1 = arith.constant 0 : i32
    return %add3A_0, %c0_i32 : i32, i32
  }
  func.func @transform_1(%arg0: i32) -> (i32, i32) {
    %add3A = arith.constant 128 : i32
    %add3A_0 = arith.addi %add3A, %arg0 : i32
    %c0_i32 = arith.constant 0 : i32
    %c0_i32_1 = arith.constant 0 : i32
    return %add3A_0, %c0_i32 : i32, i32
  }
  func.func @transform_2(%arg0: i32) -> (i32, i32) {
    %c0_i32 = arith.constant 0 : i32
    %c0_i32_0 = arith.constant 0 : i32
    %c0_i32_1 = arith.constant 0 : i32
    return %c0_i32, %c0_i32_0 : i32, i32
  }
}

module attributes {stable_mosaic.version = 14 : i64} {
  func.func @fk(%arg0: memref<2048x16xf32, #tpu.memory_space<vmem>>, %arg1: memref<2048x16xf32, #tpu.memory_space<vmem>>, %arg2: memref<2048x1xi32, #tpu.memory_space<vmem>>, %arg3: memref<1x1xf32, #tpu.memory_space<vmem>>, %arg4: memref<1x1xf32, #tpu.memory_space<vmem>>) attributes {dimension_semantics = [], scalar_prefetch = 0 : i64, scratch_operands = 0 : i64, tpu.core_type = #tpu.core_type<tc>} {
    %get3A = arith.constant 0 : index
    %get3A_0 = arith.constant 0 : index
    %get3A_1 = vector.load %arg0[%get3A, %get3A_0] : memref<2048x16xf32, #tpu.memory_space<vmem>>, vector<2048x16xf32>
    %reduce_sum3A = arith.constant dense<0.000000e+00> : vector<2048xf32>
    %reduce_sum3A_2 = vector.multi_reduction <add>, %get3A_1, %reduce_sum3A [1] : vector<2048x16xf32> to vector<2048xf32>
    %broadcast_in_dim3A = vector.shape_cast %reduce_sum3A_2 : vector<2048xf32> to vector<2048x1xf32>
    %get3A_3 = arith.constant 0 : index
    %get3A_4 = arith.constant 0 : index
    %get3A_5 = vector.load %arg2[%get3A_3, %get3A_4] : memref<2048x1xi32, #tpu.memory_space<vmem>>, vector<2048x1xi32>
    %ne3A = arith.constant 0 : i32
    %ne3A_6 = vector.broadcast %ne3A : i32 to vector<2048x1xi32>
    %ne3A_7 = arith.cmpi ne, %get3A_5, %ne3A_6 : vector<2048x1xi32>
    %get3A_8 = arith.constant 0 : index
    %get3A_9 = arith.constant 0 : index
    %get3A_10 = vector.load %arg1[%get3A_8, %get3A_9] : memref<2048x16xf32, #tpu.memory_space<vmem>>, vector<2048x16xf32>
    %reduce_sum3A_11 = arith.constant dense<0.000000e+00> : vector<2048xf32>
    %reduce_sum3A_12 = vector.multi_reduction <add>, %get3A_10, %reduce_sum3A_11 [1] : vector<2048x16xf32> to vector<2048xf32>
    %broadcast_in_dim3A_13 = vector.shape_cast %reduce_sum3A_12 : vector<2048xf32> to vector<2048x1xf32>
    %log3A = math.log %broadcast_in_dim3A : vector<2048x1xf32>
    %sub3A = arith.subf %log3A, %broadcast_in_dim3A_13 : vector<2048x1xf32>
    %jit3A = arith.constant 0.000000e+00 : f32
    %broadcast_in_dim3A_14 = vector.broadcast %jit3A : f32 to vector<2048x1xf32>
    %select_n3A = arith.select %ne3A_7, %sub3A, %broadcast_in_dim3A_14 : vector<2048x1xi1>, vector<2048x1xf32>
    %reduce_sum3A_15 = vector.shape_cast %select_n3A : vector<2048x1xf32> to vector<1x2048x1xf32>
    %reduce_sum3A_16 = arith.constant dense<0.000000e+00> : vector<1xf32>
    %reduce_sum3A_17 = vector.multi_reduction <add>, %reduce_sum3A_15, %reduce_sum3A_16 [1, 2] : vector<1x2048x1xf32> to vector<1xf32>
    %reduce_sum3A_18 = vector.shape_cast %reduce_sum3A_17 : vector<1xf32> to vector<1x1x1xf32>
    %reduce_sum3A_19 = vector.extract %reduce_sum3A_18[0, 0, 0] : f32 from vector<1x1x1xf32>
    %broadcast_in_dim3A_20 = vector.broadcast %reduce_sum3A_19 : f32 to vector<1x1xf32>
    %get3A_21 = arith.constant 0 : index
    %get3A_22 = arith.constant 0 : index
    %get3A_23 = vector.load %arg3[%get3A_21, %get3A_22] : memref<1x1xf32, #tpu.memory_space<vmem>>, vector<1x1xf32>
    %add3A = arith.addf %broadcast_in_dim3A_20, %get3A_23 : vector<1x1xf32>
    %swap3A = arith.constant 0 : index
    %swap3A_24 = arith.constant 0 : index
    %swap3A_25 = vector.load %arg4[%swap3A, %swap3A_24] : memref<1x1xf32, #tpu.memory_space<vmem>>, vector<1x1xf32>
    tpu.vector_store %arg4[%swap3A, %swap3A_24], %add3A {strides = array<i32>} : memref<1x1xf32, #tpu.memory_space<vmem>>, vector<1x1xf32>,
    return
  }
}

</mosaic_0001>

<sc_bundles>
// kernel: kernel.5.cloned.1.call-start
scs
__scs_entry_jumppad:
0x0: {  	(pc) =	sbr.rel $0x88, $3  }
0x1: {  	(tag) =	ssettag $0x0;
	lr =	simm.s32 $0x1  }
0x2: {  	[smem:$0x3F9F] =	sst lr;
	_ =	strace $0xD0000000  }
0x3: {  	_ = 	snop  }
0x4: {  	_ = 	snop  }
0x5: {  	_ = 	snop  }
0x6: {  	_ = 	snop  }
0x7: {  	_ = 	snop  }
__scs_overlays_trampoline_lowered:
0x8: {  	[smem:$0x3FAE] =	sst s0  }
0x9: {  	[smem:$0x3FAF] =	sst s1  }
0xa: {  	[smem:$0x3FB0] =	sst s2  }
0xb: {  	[smem:$0x3FB1] =	sst s3  }
0xc: {  	[smem:$0x3FB2] =	sst s4  }
0xd: {  	[smem:$0x3FB3] =	sst s5  }
0xe: {  	[smem:$0x3FB4] =	sst s6  }
0xf: {  	[smem:$0x3FB5] =	sst s7  }
0x10: {  	[smem:$0x3FB6] =	sst s8  }
0x11: {  	[smem:$0x3FB7] =	sst s9;
	s0 =	simm.s32 @!p0 $0x0  }
0x12: {  	s1 =	sld [smem:$0x3F9D];
	s0 =	simm.s32 @p0 $0x1  }
0x13: {  	[smem:$0x3FB8] =	sst s0;
	s0 =	simm.s32 @!p1 $0x0  }
0x14: {  	s2 =	sld [smem:$0x3F9C];
	s0 =	simm.s32 @p1 $0x1  }
0x15: {  	[smem:$0x3FB9] =	sst s0;
	s0 =	simm.s32 @!p2 $0x0  }
0x16: {  	s3 =	sld [smem:$0x3FDB];
	s0 =	simm.s32 @p2 $0x1  }
0x17: {  	s4 =	simm.s32 $0x1BF5;
	[smem:$0x3FBB] =	sst s0  }
0x18: {  	s0 =	sld [smem:$0x3F9E];
	_ =	swait.ge [sflag:s4], $0x0  }
0x19: {  	s7 =	sld [smem:$0x3F9F]  }
0x1a: {  	s8 =	sadd.s32 $0xFFFFE003, lr  }
0x1b: {  	s9 =	sadd.s32 $0xFFFFFEF7, lr;
	s5 =	simm.s32 $0xFFFFFFFF;
	p2 =	slt.u32 s8, $0xFFFFF086  }
0x1c: {  	p1 =	slt.u32 s9, $0xF7A;
	s5 =	simm.s32 @!p2 $0x0  }
0x1d: {  	s5 =	simm.s32 @p1 $0x1;
	p0 =	seq.s32 s7, s2  }
0x1e: {  	s7 =	smul.u32 @!p0 $0xF7A, s2;
	p2 =	seq.s32 @!p0 s5, $0x0  }
0x1f: {  	s9 =	smul.u32 $0xF7A, s1;
	s8 =	simm.s32 @!p0 $0x1BF5;
	p2 =	por !p2, p0  }
0x20: {  	[sflag:s8] =	ssyncset.s32 @!p0 $0xFFFFF086;
	s6 =	sadd.s32 @!p0 s3, s7;
	s7 =	simm.s32 @!p0 $0x108  }
0x21: {  	s3 =	sadd.s32 s3, s9;
	s6 =	sadd.s32 @!p0 $0x88, s6;
	s7 =	simm.s32 @p2 $0x1082  }
0x22: {  	[simem:s7], [sflag:s8] =	dma.local @!p0 [hbm:s6], $0xF7A  }
0x23: {  	s9 =	sor.u32 $0xD0000000, s2;
	s6 =	simm.s32 $0x108;
	_ =	swait.ge @!p0 [sflag:s8], $0x0  }
0x24: {  	s3 =	sadd.s32 $0x88, s3;
	s6 =	simm.s32 @!p1 $0x1082;
	[sflag:s4] =	ssyncset.s32 $0xFFFFF086  }
0x25: {  	[simem:s6], [sflag:s4] =	dma.local [hbm:s3], $0xF7A  }
0x26: {  	[smem:$0x3F9F] =	sst s1;
	(tag) =	ssettag s2;
	_ =	strace s9  }
0x27: {  	s1 =	sld [smem:$0x3FAF]  }
0x28: {  	s2 =	sld [smem:$0x3FB0]  }
0x29: {  	s4 =	sld [smem:$0x3FB2]  }
0x2a: {  	p0 =	seq.s32 s5, $0x0;
	s5 =	sld [smem:$0x3FB3]  }
0x2b: {  	s6 =	sld [smem:$0x3FB4]  }
0x2c: {  	s7 =	sld [smem:$0x3FB5]  }
0x2d: {  	s3 =	simm.s32 $0x108;
	s8 =	sld [smem:$0x3FB6]  }
0x2e: {  	s3 =	simm.s32 @!p0 $0x1082;
	s9 =	sld [smem:$0x3FB7]  }
0x2f: {  	lr =	sadd.s32 s0, s3;
	s0 =	sld [smem:$0x3FAE]  }
0x30: {  	s3 =	sld [smem:$0x3FB1]  }
0x31: {  	[smem:$0x3FBA] =	sst s10  }
0x32: {  	s10 =	sld [smem:$0x3FB8];
	_ =	sdelay $0x3  }
0x33: {  	p0 =	seq.s32 s10, $0x1;
	s10 =	sld [smem:$0x3FBA];
	_ =	sdelay $0x3  }
0x34: {  	[smem:$0x3FBA] =	sst s10  }
0x35: {  	s10 =	sld [smem:$0x3FB9];
	_ =	sdelay $0x3  }
0x36: {  	p1 =	seq.s32 s10, $0x1;
	s10 =	sld [smem:$0x3FBA];
	_ =	sdelay $0x3  }
0x37: {  	[smem:$0x3FBA] =	sst s10  }
0x38: {  	s10 =	sld [smem:$0x3FBB]  }
0x39: {  	_ = 	snop;
	(pc) =	sbr.ind lr, $3  }
0x3a: {  	_ = 	snop  }
0x3b: {  	_ = 	snop  }
0x3c: {  	p2 =	seq.s32 s10, $0x1;
	s10 =	sld [smem:$0x3FBA]  }
0x3d: {  	_ =	shalt  }
0x3e: {  	_ =	shalt  }
0x3f: {  	_ =	shalt  }
0x40: {  	_ =	shalt  }
0x41: {  	_ =	shalt  }
0x42: {  	_ =	shalt  }
0x43: {  	_ =	shalt  }
0x44: {  	_ =	shalt  }
0x45: {  	_ =	shalt  }
0x46: {  	_ =	shalt  }
0x47: {  	_ =	shalt  }
0x48: {  	_ =	shalt  }
0x49: {  	_ =	shalt  }
0x4a: {  	_ =	shalt  }
0x4b: {  	_ =	shalt  }
0x4c: {  	_ =	shalt  }
0x4d: {  	_ =	shalt  }
0x4e: {  	_ =	shalt  }
0x4f: {  	_ =	shalt  }
0x50: {  	_ =	shalt  }
0x51: {  	_ =	shalt  }
0x52: {  	_ =	shalt  }
0x53: {  	_ =	shalt  }
0x54: {  	_ =	shalt  }
0x55: {  	_ =	shalt  }
0x56: {  	_ =	shalt  }
0x57: {  	_ =	shalt  }
0x58: {  	_ =	shalt  }
0x59: {  	_ =	shalt  }
0x5a: {  	_ =	shalt  }
0x5b: {  	_ =	shalt  }
0x5c: {  	_ =	shalt  }
0x5d: {  	_ =	shalt  }
0x5e: {  	_ =	shalt  }
0x5f: {  	_ =	shalt  }
0x60: {  	_ =	shalt  }
0x61: {  	_ =	shalt  }
0x62: {  	_ =	shalt  }
0x63: {  	_ =	shalt  }
0x64: {  	_ =	shalt  }
0x65: {  	_ =	shalt  }
0x66: {  	_ =	shalt  }
0x67: {  	_ =	shalt  }
0x68: {  	_ =	shalt  }
0x69: {  	_ =	shalt  }
0x6a: {  	_ =	shalt  }
0x6b: {  	_ =	shalt  }
0x6c: {  	_ =	shalt  }
0x6d: {  	_ =	shalt  }
0x6e: {  	_ =	shalt  }
0x6f: {  	_ =	shalt  }
0x70: {  	_ =	shalt  }
0x71: {  	_ =	shalt  }
0x72: {  	_ =	shalt  }
0x73: {  	_ =	shalt  }
0x74: {  	_ =	shalt  }
0x75: {  	_ =	shalt  }
0x76: {  	_ =	shalt  }
0x77: {  	_ =	shalt  }
0x78: {  	_ =	shalt  }
0x79: {  	_ =	shalt  }
0x7a: {  	_ =	shalt  }
0x7b: {  	_ =	shalt  }
0x7c: {  	_ =	shalt  }
0x7d: {  	_ =	shalt  }
0x7e: {  	_ =	shalt  }
0x7f: {  	_ =	shalt  }
0x80: {  	_ =	shalt  }
0x81: {  	_ =	shalt  }
0x82: {  	_ =	shalt  }
0x83: {  	_ =	shalt  }
0x84: {  	_ =	shalt  }
0x85: {  	_ =	shalt  }
0x86: {  	_ =	shalt  }
0x87: {  	_ =	shalt  }
.Lfunc_end0:
.L_simem_size_0:
called_computation_lowered:
.L_overlay_start_0:
0x88: {  	s2 =	sld [smem:$0x3FD9]  }
0x89: {  	s3 =	sld [smem:$0x3FFE];
	_ =	sdelay $0x1  }
0x8a: {  	s1 =	srdreg.scid  }
0x8b: {  	s0 =	sand.u32 $0x1, s1  }
0x8c: {  	s17 =	sshll.u32 s0, $0xA;
	s2 =	sadd.s32 s3, s2  }
0x8d: {  	s2 =	sadd.s32 s2, s17  }
0x8e: {  	[smem:$0x3FC6] =	sst s2  }
0x8f: {  	_ = 	snop  }
0x90: {  	s2 =	sld [smem:$0x3FC9]  }
0x91: {  	s18 =	sld [smem:$0x3FC8];
	(tm) =	ssettm $0x1  }
0x92: {  	s4 =	sld [smem:$0x3FFB];
	_ =	sdelay $0x3  }
0x93: {  	_ =	strace s4  }
0x94: {  	s4 =	sld [smem:$0x3FFC];
	_ =	sdelay $0x3  }
0x95: {  	_ =	strace s4  }
0x96: {  	s4 =	sld [smem:$0x3FFD];
	_ =	sdelay $0x3  }
0x97: {  	_ =	strace s4  }
0x98: {  	_ =	strace $0x8FFFFFFF  }
0x99: {  	s19 =	sld [smem:$0x3FDB];
	_ =	sdelay $0x1  }
0x9a: {  	s5 =	simm.s32 $_scs_section_size  }
0x9b: {  	s6 =	simm.s32 $_size__tile_overlayer_lowered;
	s7 =	simm.s32 $_tile_overlayer_lowered  }
0x9c: {  	s22 =	simm.s32 $0x1BFF;
	s21 =	sshll.u32 s7, $0x1;
	s4 =	sadd.s32 s5, s19  }
0x9d: {  	s8 =	simm.s32 $0x0;
	s20 =	sshll.u32 s6, $0x1;
	s6 =	sadd.s32 s21, s4  }
0x9e: {  	[timem:s8], [sflag:s22] =	dma.local [hbm:s6], s20  }
0x9f: {  	_ =	swait.ge [sflag:s22], s20  }
0xa0: {  	s5 =	ssub.s32 $0x0, s20;
	[sflag:s22] =	ssyncset.done $0x0  }
0xa1: {  	[sflag:s22] =	ssyncadd.s32 s5;
	_ =	sdelay $0x1  }
0xa2: {  	s23 =	simm.s32 $0x1B8B  }
0xa3: {  	_ =	swait.ge [sflag:s23], $0x1  }
0xa4: {  	[sflag:s23] =	ssyncset.done $0x0  }
0xa5: {  	s25 =	simm.s32 $0x1B8E;
	s24 =	sld [smem:$0x3FFE];
	[sflag:s23] =	ssyncadd.s32 $0xFFFFFFFF  }
0xa6: {  	s26 =	simm.s32 $execute0_lowered;
	[smem:$0x3FD2] =	sst s25  }
0xa7: {  	s6 =	sshll.u32 s26, $0x1;
	_ =	strace $0x80000046;
	[dreg:$0x1] =	wrdreg $0xFFFFFFFF  }
0xa8: {  	s28 =	simm.s32 $_size_execute0_lowered;
	s4 =	sadd.s32 s4, s6;
	[dreg:$0x0] =	wrdreg $0x0  }
0xa9: {  	s6 =	sshll.u32 s28, $0x1;
	[dreg:$0x2] =	wrdreg s4  }
0xaa: {  	[dreg:$0x3] =	wrdreg s6  }
0xab: {  	[dreg:$0x4] =	wrdreg $0xC0  }
0xac: {  	_ =	task [dreg:s8], $0x5FFFF  }
0xad: {  	[dreg:$0x1] =	wrdreg $0xFFFFFFFF  }
0xae: {  	[dreg:$0x0] =	wrdreg $0x60  }
0xaf: {  	[dreg:$0x2] =	wrdreg s2  }
0xb0: {  	[dreg:$0x3] =	wrdreg s18  }
0xb1: {  	[dreg:$0x4] =	wrdreg s24  }
0xb2: {  	[dreg:$0x5] =	wrdreg $0x9  }
0xb3: {  	_ =	task.clear_ibuf [dreg:s8], $0x6FFFF;
	_ =	strace $0x90000046  }
0xb4: {  	s29 =	simm.s32 $0x9;
	_ =	strace $0x80000048  }
0xb5: {  	_ =	swait.ge [sflag:s29], $0x1  }
0xb6: {  	[sflag:s29] =	ssyncadd.s32 $0xFFFFFFFF  }
0xb7: {  	_ =	strace $0x90000048  }
0xb8: {  	_ =	sfence  }
0xb9: {  	s30 =	sld [smem:$0x0];
	_ =	sdelay $0x2  }
0xba: {  	s31 =	sshll.u32 s1, $0xD;
	s1 =	sshrl.u32 s1, $0x2  }
0xbb: {  	s3 =	sand.u32 $0x4000, s31;
	s1 =	sadd.s32 s1, s30  }
0xbc: {  	s0 =	sor.u32 s3, s0;
	s1 =	sshll.u32 s1, $0x11  }
0xbd: {  	s0 =	sor.u32 s1, s0  }
0xbe: {  	s0 =	sadd.s32 $0x8F2B, s0  }
0xbf: {  	[sflag:s0] =	ssyncadd.remote.s32 $0x1  }
0xc0: {  	_ =	sfence.sel $0xFFFF  }
0xc1: {  	[dreg:$0x0] =	wrdreg $0xFFFFFFFF;
	(pc) =	sbr.abs _section_cstart, $3  }
0xc2: {  	[dreg:$0x1] =	wrdreg $0xFFFFFFFF  }
0xc3: {  	_ =	task.clear_ibuf [dreg:s8], $0x2FFFF;
	_ =	strace $0x9FFFFFFF  }
0xc4: {  	(tm) =	ssettm $0x7FFFFFFF  }
0xc5: {  	_ =	shalt  }
tec
execute0_lowered:
.L_overlay_start_1:
0x0: {  	(tag) =	ssettag $0x1  }
0x1: {  	s1 =	rddreg [dreg:$0x0]  }
0x2: {  	s6 =	rddreg [dreg:$0x1];
	s2 =	srdreg.scid  }
0x3: {  	s0 =	stileid.u32;
	s4 =	rddreg [dreg:$0x2]  }
0x4: {  	s3 =	simm.s32 $0x0;
	s11 =	simm.s32 $0x7D00;
	s12 =	simm.s32 $0x3  }
0x5: {  	s13 =	simm.s32 $0x80;
	s14 =	simm.s32 $0x400;
	s15 =	simm.s32 $0x3E80  }
0x6: {  	s16 =	simm.s32 $0x1;
	s17 =	simm.s32 $0x2;
	s18 =	simm.s32 $0x7D80  }
0x7: {  	s19 =	simm.s32 $0x8180;
	s5 =	sand.u32 $0x1, s2;
	s7 =	sshll.u32 s0, $0x1  }
0x8: {  	s20 =	simm.s32 $0x0;
	s2 =	rddreg [dreg:$0x3];
	s7 =	sor.u32 s5, s7  }
0x9: {  	[smem:$0x7FF] =	sst s3;
	s5 =	ssub.s32 $0x2, s5;
	s8 =	smul.u32 $0x1F4000, s7  }
.Ltmp0:
0xa: {  	s9 =	sshll.u32 s7, $0x7;
	s10 =	sshrl.u32 s5, $0x1;
	(pc) =	sbr.rel .LBB2_1-.Ltmp0, $4  }
0xb: {  	_ =	strace $0x80000047;
	s9 =	sadd.s32 s9, s4;
	s10 =	ssub.s32 s5, s10  }
0xc: {  	s4 =	sshll.u32 s7, $0x6;
	s7 =	sshll.u32 s7, $0x3;
	s31 =	sshrl.u32 s8, $0x3  }
0xd: {  	s6 =	sadd.s32 s6, s7;
	s8 =	sadd.s32 $0xA00, s9;
	s5 =	sadd.s32 s1, s31  }
0xe: {  	v0 =	vlaneseq.u32;
	s9 =	sadd.s32 $0x1A00, s9;
	s10 =	smax.u32 s10, $0x1;
	s7 =	sadd.s32 $0x3E80, s5  }
.LBB2_7:
0xf: {  	v1 =	vadd.f32 v2, v1;
	v2 =	vadd.f32 v4, v3;
	_ =	sdelay $0x1  }
0x10: {  	v1 =	vadd.f32 v2, v1;
	_ =	sdelay $0x1  }
0x11: {  	[tilespmem:$0x8170] =	vst v1  }
.LBB2_9:
0x12: {  	[hbm4b:s8+s3] =	stream.linear.scatter [tilespmem:s18], [sflag:$0x3], $0x400, $0x38;
	[tilespmem:$0x8580] =	vst v63  }
0x13: {  	s20 =	sadd.s32 $0x1, s20;
	_ =	swait.ge [sflag:s12], $0x400  }
0x14: {  	p0 =	sne.s32 s20, s10;
	[sflag:s12] =	ssyncset.done $0x0  }
.Ltmp1:
0x15: {  	[sflag:s12] =	ssyncadd.s32 $0xFFFFFC00;
	(pc) =	sbr.rel @!p0 .LBB2_10-.Ltmp1, $4  }
0x16: {  	[hbm4b:s9+s3] =	stream.linear.scatter [tilespmem:s19], [sflag:$0x3], $0x400, $0x38;
	[tilespmem:$0x8580] =	vst v63  }
0x17: {  	_ =	swait.ge [sflag:s12], $0x400  }
0x18: {  	[sflag:s12] =	ssyncset.done $0x0  }
0x19: {  	[sflag:s12] =	ssyncadd.s32 $0xFFFFFC00  }
.LBB2_1:
0x1a: {  	[tilespmem:s11], [sflag:$0x3] =	stream.linear.gather [hbm4b:s6+s3], $0x40, $0x38;
	[tilespmem:$0x8580] =	vst v63  }
0x1b: {  	_ =	swait.ge [sflag:s12], $0x40  }
0x1c: {  	[sflag:s12] =	ssyncset.done $0x0  }
0x1d: {  	[sflag:s12] =	ssyncadd.s32 $0xFFFFFFC0  }
0x1e: {  	[tilespmem:s3], [sflag:$0x1] =	stream.strided.gather [hbm4b:s5+s13], $0x3E80, s14, s13, $0x38;
	[tilespmem:$0x8580] =	vst v63  }
0x1f: {  	s21 =	simm.s32 $0x0  }
0x20: {  	[tilespmem:s15], [sflag:$0x2] =	stream.strided.gather [hbm4b:s7+s13], $0x3E80, s14, s13, $0x38;
	[tilespmem:$0x8580] =	vst v63  }
.LBB2_2:
0x21: {  	s22 =	sand.u32 $0x30, s21  }
0x22: {  	v5 =	vld [tilespmem:s22+$0x7D00];
	_ =	swait.ge [sflag:s16], $0x3E80  }
0x23: {  	[sflag:s16] =	ssyncset.done $0x0  }
0x24: {  	s31 =	simm.s32 $0x80;
	[sflag:s16] =	ssyncadd.s32 $0xFFFFC180  }
0x25: {  	v1 =	vld [tilespmem:s31+$0x60]  }
0x26: {  	v2 =	vld [tilespmem:s31+$0xFFFFFFF0]  }
0x27: {  	v4 =	vld [tilespmem:s31+$0xFFFFFF80]  }
0x28: {  	v6 =	vld [tilespmem:s31+$0xFFFFFFB0]  }
0x29: {  	v7 =	vld [tilespmem:s31+$0xFFFFFFA0]  }
0x2a: {  	v8 =	vld [tilespmem:s31+$0xFFFFFF90]  }
0x2b: {  	v9 =	vld [tilespmem:s31+$0xFFFFFFE0];
	v1 =	vmul.f32 $1.442695020e+00, v1  }
0x2c: {  	v10 =	vld [tilespmem:s31+$0x0];
	v2 =	vmul.f32 $1.442695020e+00, v2;
	v4 =	vmul.f32 $1.442695020e+00, v4  }
0x2d: {  	(erf) = vpow2.f32 v1;
	v1 =	vmul.f32 $1.442695020e+00, v6;
	v6 =	vld [tilespmem:s31+$0xFFFFFFD0]  }
0x2e: {  	(erf) = vpow2.f32 v2;
	v2 =	vmul.f32 $1.442695020e+00, v7;
	v7 =	vld [tilespmem:s31+$0x20]  }
0x2f: {  	v3 =	vld [tilespmem:s31+$0xFFFFFFC0];
	(erf) = vpow2.f32 v4;
	v4 =	vmul.f32 $1.442695020e+00, v8  }
0x30: {  	v8 =	vld [tilespmem:s31+$0x10];
	(erf) = vpow2.f32 v1;
	v1 =	vmul.f32 $1.442695020e+00, v9  }
0x31: {  	v9 =	vld [tilespmem:s31+$0x40];
	(erf) = vpow2.f32 v2;
	v2 =	vmul.f32 $1.442695020e+00, v10  }
0x32: {  	v10 =	vld [tilespmem:s31+$0x50];
	(erf) = vpow2.f32 v4;
	v4 =	vmul.f32 $1.442695020e+00, v6  }
0x33: {  	s22 =	simm.s32 $0x180;
	v6 =	vld [tilespmem:s31+$0x30];
	(erf) = vpow2.f32 v1;
	v1 =	vmul.f32 $1.442695020e+00, v7  }
0x34: {  	v11 =	vld [tilespmem:s22+$0x60];
	v3 =	vmul.f32 $1.442695020e+00, v3;
	(erf) = vpow2.f32 v2  }
0x35: {  	v7 =	vld [tilespmem:s31+$0x70];
	v2 =	vmul.f32 $1.442695020e+00, v8;
	(erf) = vpow2.f32 v4  }
0x36: {  	v12 =	vld [tilespmem:s22+$0xFFFFFF80];
	v4 =	vmul.f32 $1.442695020e+00, v9;
	(erf) = vpow2.f32 v1  }
0x37: {  	v8 =	vld [tilespmem:s22+$0xFFFFFFF0];
	v10 =	vmul.f32 $1.442695020e+00, v10;
	v1 =	vpop (erf);
	(erf) = vpow2.f32 v2  }
0x38: {  	v9 =	vld [tilespmem:s22+$0xFFFFFFC0];
	v6 =	vmul.f32 $1.442695020e+00, v6;
	v14 =	vpop (erf);
	(erf) = vpow2.f32 v4  }
0x39: {  	v11 =	vmul.f32 $1.442695020e+00, v11;
	v2 =	vpop (erf);
	(erf) = vpow2.f32 v10  }
0x3a: {  	v13 =	vld [tilespmem:s22+$0xFFFFFFB0];
	v15 =	vmul.f32 $1.442695020e+00, v7;
	v16 =	vpop (erf);
	(erf) = vpow2.f32 v6  }
0x3b: {  	v20 =	vmul.f32 $1.442695020e+00, v12;
	v4 =	vimm.f32 $0.0e+00;
	v10 =	vld [tilespmem:s22+$0xFFFFFFA0];
	v7 =	vpop (erf);
	(erf) = vpow2.f32 v3  }
0x3c: {  	v8 =	vmul.f32 $1.442695020e+00, v8;
	v6 =	vld [tilespmem:s22+$0xFFFFFF90];
	v17 =	vadd.f32 v7, v4;
	v18 =	vpop (erf);
	(erf) = vpow2.f32 v15  }
0x3d: {  	v7 =	vmul.f32 $1.442695020e+00, v9;
	v9 =	vld [tilespmem:s22+$0xFFFFFFE0];
	v19 =	vpop (erf);
	(erf) = vpow2.f32 v11;
	v11 =	vadd.f32 v16, v4  }
0x3e: {  	v12 =	vld [tilespmem:s22+$0x0];
	v18 =	vadd.f32 v18, v4;
	v3 =	vpop (erf)  }
0x3f: {  	v16 =	vmul.f32 $1.442695020e+00, v13;
	v13 =	vld [tilespmem:s22+$0xFFFFFFD0];
	(erf) = vpow2.f32 v8;
	v19 =	vadd.f32 v19, v17;
	v21 =	vpop (erf)  }
0x40: {  	v15 =	vld [tilespmem:s22+$0x20];
	v22 =	vmul.f32 $1.442695020e+00, v10;
	(erf) = vpow2.f32 v20;
	v8 =	vadd.f32 v14, v11;
	v20 =	vpop (erf)  }
0x41: {  	v17 =	vmul.f32 $1.442695020e+00, v6;
	v14 =	vld [tilespmem:s22+$0x10];
	(erf) = vpow2.f32 v16;
	v10 =	vadd.f32 v21, v18;
	v11 =	vpop (erf)  }
0x42: {  	s23 =	simm.s32 $0x10;
	v16 =	vld [tilespmem:s22+$0x40];
	v18 =	vmul.f32 $1.442695020e+00, v9;
	(erf) = vpow2.f32 v22;
	v9 =	vadd.f32 v20, v19;
	v6 =	vpop (erf)  }
.LBB2_3:
0x43: {  	s23 =	sadd.s32 $0x10, s23;
	v12 =	vmul.f32 $1.442695020e+00, v12;
	v19 =	vld [tilespmem:s22+$0x50];
	(erf) = vpow2.f32 v17;
	v2 =	vadd.f32 v2, v4;
	v4 =	vpop (erf)  }
0x44: {  	v10 =	vadd.f32 v11, v10;
	p0 =	slt.u32 s23, $0x3D0;
	v20 =	vmul.f32 $1.442695020e+00, v13;
	v17 =	vld [tilespmem:s22+$0x30];
	(erf) = vpow2.f32 v18;
	v11 =	vpop (erf)  }
0x45: {  	v15 =	vmul.f32 $1.442695020e+00, v15;
	v18 =	vld [tilespmem:s22+$0x70];
	s22 =	sadd.s32 $0x100, s22;
	(erf) = vpow2.f32 v12;
	v8 =	vadd.f32 v11, v8;
	v11 =	vpop (erf)  }
0x46: {  	v9 =	vadd.f32 v1, v9;
	v12 =	vld [tilespmem:s22+$0x60];
	v14 =	vmul.f32 $1.442695020e+00, v14;
	(erf) = vpow2.f32 v20;
	v13 =	vpop (erf)  }
0x47: {  	v11 =	vadd.f32 v11, v2;
	v20 =	vld [tilespmem:s22+$0xFFFFFFF0];
	v16 =	vmul.f32 $1.442695020e+00, v16;
	(erf) = vpow2.f32 v15;
	v1 =	vpop (erf)  }
0x48: {  	v10 =	vadd.f32 v4, v10;
	v15 =	vld [tilespmem:s22+$0xFFFFFFC0];
	v19 =	vmul.f32 $1.442695020e+00, v19;
	v21 =	vpop (erf);
	(erf) = vpow2.f32 v14  }
0x49: {  	v22 =	vadd.f32 v3, v11;
	v14 =	vld [tilespmem:s22+$0xFFFFFF80];
	v4 =	vmul.f32 $1.442695020e+00, v17;
	v2 =	vpop (erf);
	(erf) = vpow2.f32 v16  }
0x4a: {  	v8 =	vadd.f32 v13, v8;
	v11 =	vld [tilespmem:s22+$0xFFFFFFB0];
	v16 =	vmul.f32 $1.442695020e+00, v18;
	v17 =	vpop (erf);
	(erf) = vpow2.f32 v19  }
0x4b: {  	v18 =	vld [tilespmem:s22+$0xFFFFFFA0];
	v13 =	vmul.f32 $1.442695020e+00, v12;
	v12 =	vpop (erf);
	(erf) = vpow2.f32 v4;
	v4 =	vadd.f32 v6, v22  }
0x4c: {  	v6 =	vld [tilespmem:s22+$0xFFFFFF90];
	v19 =	vmul.f32 $1.442695020e+00, v20;
	v9 =	vadd.f32 v12, v9;
	v3 =	vpop (erf);
	(erf) = vpow2.f32 v7  }
0x4d: {  	v7 =	vmul.f32 $1.442695020e+00, v15;
	v20 =	vld [tilespmem:s22+$0xFFFFFFE0];
	v10 =	vadd.f32 v3, v10;
	v15 =	vpop (erf);
	(erf) = vpow2.f32 v16  }
.Ltmp2:
0x4e: {  	v8 =	vadd.f32 v17, v8;
	v14 =	vmul.f32 $1.442695020e+00, v14;
	v12 =	vld [tilespmem:s22+$0x0];
	(erf) = vpow2.f32 v13;
	v3 =	vpop (erf);
	(pc) =	sbr.rel @p0 .LBB2_3-.Ltmp2, $4  }
0x4f: {  	v9 =	vadd.f32 v15, v9;
	v22 =	vmul.f32 $1.442695020e+00, v11;
	v13 =	vld [tilespmem:s22+$0xFFFFFFD0];
	(erf) = vpow2.f32 v19;
	v16 =	vpop (erf)  }
0x50: {  	v8 =	vadd.f32 v21, v8;
	v19 =	vmul.f32 $1.442695020e+00, v18;
	v15 =	vld [tilespmem:s22+$0x20];
	(erf) = vpow2.f32 v14;
	v21 =	vpop (erf)  }
0x51: {  	v10 =	vadd.f32 v16, v10;
	v17 =	vmul.f32 $1.442695020e+00, v6;
	v14 =	vld [tilespmem:s22+$0x10];
	(erf) = vpow2.f32 v22;
	v11 =	vpop (erf)  }
0x52: {  	v9 =	vadd.f32 v21, v9;
	v18 =	vmul.f32 $1.442695020e+00, v20;
	v16 =	vld [tilespmem:s22+$0x40];
	(erf) = vpow2.f32 v19;
	v6 =	vpop (erf)  }
0x53: {  	s23 =	sand.u32 $0xF, s21  }
0x54: {  	v19 =	vmov s23  }
0x55: {  	v5 =	vxor.u32 $0x80000000, v5;
	vm0 =	veq.s32 v19, v0  }
0x56: {  	v5 =	vnsel vm0, $0x80000000, v5  }
0x57: {  	(xrf0) =	vmax.scan.msk.u32 $0xffff, v5;
	_ =	sdelay $0x5  }
0x58: {  	v5, _, _ =	vpop (xrf0)  }
0x59: {  	(v2sf) =	vpush v5, $0xF;
	_ =	sdelay $0x5  }
0x5a: {  	v13 =	vmul.f32 $1.442695020e+00, v13  }
0x5b: {  	(erf) = vpow2.f32 v17;
	v17 =	vpop (erf);
	v5 =	vmul.f32 $1.442695020e+00, v12;
	v12 =	vld [tilespmem:s22+$0x50]  }
0x5c: {  	(erf) = vpow2.f32 v18;
	v18 =	vpop (erf);
	v19 =	vld [tilespmem:s22+$0x30]  }
0x5d: {  	v15 =	vmul.f32 $1.442695020e+00, v15;
	v20 =	vpop (erf);
	(erf) = vpow2.f32 v5  }
0x5e: {  	v21 =	vld [tilespmem:s22+$0x70];
	v14 =	vmul.f32 $1.442695020e+00, v14;
	(erf) = vpow2.f32 v13;
	v13 =	vpop (erf)  }
0x5f: {  	v16 =	vmul.f32 $1.442695020e+00, v16;
	(erf) = vpow2.f32 v15;
	v5 =	vpop (erf);
	v15 =	vld [tilespmem:$0x3E00]  }
0x60: {  	v12 =	vmul.f32 $1.442695020e+00, v12;
	v22 =	vpop (erf);
	(erf) = vpow2.f32 v14;
	v14 =	vld [tilespmem:$0x3E10]  }
0x61: {  	v19 =	vmul.f32 $1.442695020e+00, v19;
	v23 =	vpop (erf);
	(erf) = vpow2.f32 v16  }
0x62: {  	v16 =	vld [tilespmem:$0x3E20];
	v24 =	vpop (erf);
	(erf) = vpow2.f32 v12  }
0x63: {  	v12 =	vld [tilespmem:$0x3E30];
	(erf) = vpow2.f32 v19;
	s22 =	spop (v2sf)  }
0x64: {  	v21 =	vmul.f32 $1.442695020e+00, v21;
	v25 =	vpop (erf);
	v19 =	vld [tilespmem:$0x3E40];
	(erf) = vpow2.f32 v7;
	s23 =	sxor.u32 $0x80000000, s22;
	p1 =	sgt.s32 s22, $0xFFFFFFFF  }
0x65: {  	v26 =	vpop (erf);
	v7 =	vmul.f32 $1.442695020e+00, v15;
	v15 =	vld [tilespmem:$0x3E50];
	v14 =	vmul.f32 $1.442695020e+00, v14;
	p2 =	sgt.s32 @!p1 s23, $0x3E7F  }
0x66: {  	v57 =	vld [tilespmem:$0x3E60];
	v27 =	vpop (erf);
	(erf) = vpow2.f32 v21;
	p0 =	por p2, p1  }
0x67: {  	v28 =	vpop (erf);
	(erf) = vpow2.f32 v7;
	v7 =	vmul.f32 $1.442695020e+00, v16;
	v16 =	vld [tilespmem:$0x3E70];
	s24 =	sand.u32 @!p0 $0xF, s22  }
0x68: {  	v29 =	vpop (erf);
	(erf) = vpow2.f32 v14;
	v12 =	vmul.f32 $1.442695020e+00, v12;
	p3 =	slt.s32 @!p0 s23, $0x1;
	p4 =	sne.s32 @!p0 s24, $0x0  }
0x69: {  	v14 =	vpop (erf);
	(erf) = vpow2.f32 v7;
	v7 =	vmul.f32 $1.442695020e+00, v19;
	p3 =	por @!p0 !p3, !p4  }
0x6a: {  	(erf) = vpow2.f32 v12;
	v12 =	vmul.f32 $1.442695020e+00, v15;
	p3 =	por @!p0 !p3, !p3  }
0x6b: {  	v19 =	vpop (erf);
	(erf) = vpow2.f32 v7;
	v7 =	vmul.f32 $1.442695020e+00, v57;
	p2 =	por @!p1 !p3, p2  }
0x6c: {  	v15 =	vpop (erf);
	(erf) = vpow2.f32 v12;
	v12 =	vmul.f32 $1.442695020e+00, v16;
	s24 =	simm.s32 @!p0 $0xFFFFFFFF;
	p1 =	por !p2, p1  }
0x6d: {  	v58 =	vpop (erf);
	s24 =	simm.s32 @!p1 $0x0  }
0x6e: {  	v16 =	vpop (erf);
	(erf) = vpow2.f32 v7;
	s24 =	sshll.u32 @!p0 s24, $0x4  }
0x6f: {  	v7 =	vpop (erf);
	(erf) = vpow2.f32 v12;
	p1 =	seq.s32 s21, $0x3F;
	s24 =	sadd.s32 @!p0 s23, s24  }
0x70: {  	v12 =	vpop (erf);
	s25 =	sor.u32 @!p1 s4, s21;
	s24 =	sand.u32 @!p0 $0xFFFFFFF0, s24  }
0x71: {  	v30 =	vpop (erf);
	s25 =	sadd.s32 @!p1 $0x1, s25;
	v31 =	vld @!p0 [tilespmem:s24+$0x0]  }
0x72: {  	v32 =	vpop (erf);
	s26 =	sshrl.u32 @!p1 s25, $0x3  }
0x73: {  	v33 =	vpop (erf);
	s25 =	sshll.u32 @!p1 s25, $0x7;
	s26 =	smul.u32 @!p1 $0x3E800, s26;
	s23 =	ssub.s32 @!p0 s23, s24  }
0x74: {  	v36 =	vlaneseq.u32 @!p0;
	v34 =	vpop (erf);
	s24 =	sand.u32 @!p1 $0x380, s25;
	v35 =	vmov @!p0 s23  }
0x75: {  	v37 =	vpop (erf);
	s23 =	sor.u32 @!p1 s24, s26;
	vm0 =	veq.s32 @!p0 v35, v36;
	s24 =	sshll.u32 @!p0 s21, $0x4  }
0x76: {  	v59 =	vpop (erf);
	s25 =	simm.s32 @!p1 $0x400;
	s23 =	sshrl.u32 @!p1 s23, $0x3;
	s24 =	sand.u32 @!p0 $0x3FFFFFF0, s24;
	v31 =	vnsel @!p0 vm0, $0x0, v31  }
0x77: {  	v60 =	vpop (erf);
	s26 =	simm.s32 @!p1 $0x0;
	s23 =	sadd.s32 @!p1 s1, s23;
	[tilespmem:s24+$0x8180] =	vst @!p0 v31;
	s24 =	simm.s32 @!p1 $0x80  }
0x78: {  	v61 =	vpop (erf);
	[tilespmem:s26], [sflag:$0x1] =	stream.strided.gather @!p1 [hbm4b:s23+s24], $0x3E80, s25, s24, $0x38;
	[tilespmem:$0x8580] =	vst v63  }
0x79: {  	v2 =	vadd.f32 v2, v4;
	_ =	swait.ge [sflag:s17], $0x3E80  }
0x7a: {  	v4 =	vadd.f32 v11, v10;
	[sflag:s17] =	ssyncset.done $0x0  }
0x7b: {  	s31 =	simm.s32 $0x3F00;
	v8 =	vadd.f32 v18, v8;
	v2 =	vadd.f32 v20, v2;
	[sflag:s17] =	ssyncadd.s32 $0xFFFFC180  }
0x7c: {  	v1 =	vadd.f32 v1, v9;
	v4 =	vadd.f32 v17, v4;
	v9 =	vld [tilespmem:s31+$0x60]  }
0x7d: {  	v2 =	vadd.f32 v3, v2;
	v8 =	vadd.f32 v13, v8;
	v10 =	vld [tilespmem:s31+$0xFFFFFFF0]  }
0x7e: {  	v1 =	vadd.f32 v25, v1;
	v3 =	vadd.f32 v26, v4;
	v4 =	vld [tilespmem:s31+$0xFFFFFFC0]  }
0x7f: {  	v2 =	vadd.f32 v6, v2;
	v8 =	vadd.f32 v24, v8;
	v11 =	vld [tilespmem:s31+$0xFFFFFF80]  }
0x80: {  	v1 =	vadd.f32 v27, v1;
	v3 =	vadd.f32 v29, v3;
	v6 =	vld [tilespmem:s31+$0xFFFFFFB0]  }
0x81: {  	v2 =	vadd.f32 v23, v2;
	v8 =	vadd.f32 v22, v8;
	v13 =	vld [tilespmem:s31+$0xFFFFFFA0]  }
0x82: {  	v1 =	vadd.f32 v14, v1;
	v3 =	vadd.f32 v19, v3;
	v14 =	vld [tilespmem:s31+$0xFFFFFF90];
	v9 =	vmul.f32 $1.442695020e+00, v9  }
0x83: {  	v8 =	vadd.f32 v16, v8;
	v10 =	vmul.f32 $1.442695020e+00, v10;
	v16 =	vmul.f32 $1.442695020e+00, v4;
	v4 =	vld [tilespmem:s31+$0xFFFFFFE0]  }
0x84: {  	v2 =	vadd.f32 v7, v2;
	v7 =	vmul.f32 $1.442695020e+00, v11;
	(erf) = vpow2.f32 v9;
	v9 =	vld [tilespmem:s31+$0x0]  }
0x85: {  	v1 =	vadd.f32 v5, v1;
	v5 =	vmul.f32 $1.442695020e+00, v6;
	v6 =	vld [tilespmem:s31+$0xFFFFFFD0];
	(erf) = vpow2.f32 v10  }
0x86: {  	v3 =	vadd.f32 v58, v3;
	v10 =	vmul.f32 $1.442695020e+00, v13;
	(erf) = vpow2.f32 v7;
	v7 =	vld [tilespmem:s31+$0x20]  }
0x87: {  	v2 =	vadd.f32 v28, v2;
	v11 =	vmul.f32 $1.442695020e+00, v14;
	(erf) = vpow2.f32 v5;
	v5 =	vld [tilespmem:s31+$0x10]  }
0x88: {  	v8 =	vadd.f32 v12, v8;
	v4 =	vmul.f32 $1.442695020e+00, v4;
	(erf) = vpow2.f32 v10;
	v10 =	vld [tilespmem:s31+$0x40]  }
0x89: {  	v2 =	vadd.f32 v15, v2;
	v9 =	vmul.f32 $1.442695020e+00, v9;
	(erf) = vpow2.f32 v11;
	v11 =	vld [tilespmem:s31+$0x50]  }
0x8a: {  	v3 =	vadd.f32 v32, v3;
	v6 =	vmul.f32 $1.442695020e+00, v6;
	(erf) = vpow2.f32 v4;
	v4 =	vld [tilespmem:s31+$0x30]  }
0x8b: {  	v2 =	vadd.f32 v30, v2;
	s24 =	simm.s32 $0x4000;
	v12 =	vld [tilespmem:s31+$0x70];
	v7 =	vmul.f32 $1.442695020e+00, v7;
	(erf) = vpow2.f32 v9  }
0x8c: {  	v13 =	vld [tilespmem:s24+$0x60];
	v9 =	vadd.f32 v33, v1;
	v14 =	vmul.f32 $1.442695020e+00, v5;
	(erf) = vpow2.f32 v6  }
0x8d: {  	v6 =	vadd.f32 v34, v8;
	v8 =	vld [tilespmem:s24+$0xFFFFFFF0];
	v10 =	vmul.f32 $1.442695020e+00, v10;
	(erf) = vpow2.f32 v7;
	v1 =	vpop (erf)  }
0x8e: {  	v5 =	vadd.f32 v37, v2;
	v2 =	vld [tilespmem:s24+$0xFFFFFFC0];
	v7 =	vmul.f32 $1.442695020e+00, v11;
	v15 =	vpop (erf);
	(erf) = vpow2.f32 v14  }
0x8f: {  	v14 =	vmul.f32 $1.442695020e+00, v4;
	v4 =	vpop (erf);
	(erf) = vpow2.f32 v10;
	v10 =	vld [tilespmem:s24+$0xFFFFFFB0]  }
0x90: {  	v3 =	vadd.f32 v59, v3;
	v12 =	vmul.f32 $1.442695020e+00, v12;
	v9 =	vadd.f32 v60, v9;
	v11 =	vld [tilespmem:s24+$0xFFFFFF80];
	v17 =	vpop (erf)  }
0x91: {  	v19 =	vld [tilespmem:s24+$0xFFFFFFE0];
	v13 =	vmul.f32 $1.442695020e+00, v13;
	v6 =	vadd.f32 v61, v6;
	(erf) = vpow2.f32 v7;
	v18 =	vpop (erf)  }
0x92: {  	v7 =	vld [tilespmem:s24+$0xFFFFFFA0];
	(erf) = vpow2.f32 v14;
	v8 =	vmul.f32 $1.442695020e+00, v8;
	v9 =	vadd.f32 v18, v9  }
0x93: {  	v14 =	vld [tilespmem:s24+$0xFFFFFF90];
	v2 =	vmul.f32 $1.442695020e+00, v2;
	v6 =	vadd.f32 v17, v6;
	v18 =	vpop (erf);
	(erf) = vpow2.f32 v16  }
0x94: {  	v16 =	vpop (erf);
	(erf) = vpow2.f32 v12;
	v10 =	vmul.f32 $1.442695020e+00, v10  }
0x95: {  	v18 =	vadd.f32 v18, v3;
	v62 =	vmul.f32 $1.442695020e+00, v11;
	v11 =	vld [tilespmem:s24+$0x0];
	(erf) = vpow2.f32 v13;
	v3 =	vpop (erf)  }
0x96: {  	v17 =	vmul.f32 $1.442695020e+00, v19;
	v12 =	vld [tilespmem:s24+$0xFFFFFFD0];
	(erf) = vpow2.f32 v8;
	v8 =	vadd.f32 v16, v9;
	v9 =	vpop (erf)  }
0x97: {  	v13 =	vld [tilespmem:s24+$0x20];
	v63 =	vmul.f32 $1.442695020e+00, v7;
	v7 =	vadd.f32 v15, v6;
	(erf) = vpow2.f32 v62;
	v6 =	vpop (erf)  }
0x98: {  	v16 =	vmul.f32 $1.442695020e+00, v14;
	v14 =	vld [tilespmem:s24+$0x10];
	(erf) = vpow2.f32 v10;
	v10 =	vpop (erf)  }
0x99: {  	s23 =	sadd.s32 $0x1, s21;
	s25 =	simm.s32 $0x10;
	v15 =	vld [tilespmem:s24+$0x40];
	v9 =	vadd.f32 v9, v18;
	(erf) = vpow2.f32 v63;
	v8 =	vadd.f32 v6, v8;
	v6 =	vpop (erf)  }
.LBB2_5:
0x9a: {  	s25 =	sadd.s32 $0x10, s25;
	v11 =	vmul.f32 $1.442695020e+00, v11;
	v18 =	vld [tilespmem:s24+$0x50];
	(erf) = vpow2.f32 v16;
	v4 =	vadd.f32 v4, v5;
	v5 =	vpop (erf)  }
0x9b: {  	v9 =	vadd.f32 v10, v9;
	p0 =	slt.u32 s25, $0x3D0;
	v19 =	vmul.f32 $1.442695020e+00, v12;
	v16 =	vld [tilespmem:s24+$0x30];
	(erf) = vpow2.f32 v17;
	v10 =	vpop (erf)  }
0x9c: {  	v13 =	vmul.f32 $1.442695020e+00, v13;
	v17 =	vld [tilespmem:s24+$0x70];
	s24 =	sadd.s32 $0x100, s24;
	(erf) = vpow2.f32 v11;
	v7 =	vadd.f32 v10, v7;
	v10 =	vpop (erf)  }
0x9d: {  	v8 =	vadd.f32 v1, v8;
	v11 =	vld [tilespmem:s24+$0x60];
	v14 =	vmul.f32 $1.442695020e+00, v14;
	(erf) = vpow2.f32 v19;
	v12 =	vpop (erf)  }
0x9e: {  	v10 =	vadd.f32 v10, v4;
	v19 =	vld [tilespmem:s24+$0xFFFFFFF0];
	v15 =	vmul.f32 $1.442695020e+00, v15;
	(erf) = vpow2.f32 v13;
	v1 =	vpop (erf)  }
0x9f: {  	v9 =	vadd.f32 v5, v9;
	v13 =	vld [tilespmem:s24+$0xFFFFFFC0];
	v18 =	vmul.f32 $1.442695020e+00, v18;
	v20 =	vpop (erf);
	(erf) = vpow2.f32 v14  }
0xa0: {  	v21 =	vadd.f32 v3, v10;
	v14 =	vld [tilespmem:s24+$0xFFFFFF80];
	v5 =	vmul.f32 $1.442695020e+00, v16;
	v4 =	vpop (erf);
	(erf) = vpow2.f32 v15  }
0xa1: {  	v7 =	vadd.f32 v12, v7;
	v10 =	vld [tilespmem:s24+$0xFFFFFFB0];
	v15 =	vmul.f32 $1.442695020e+00, v17;
	v16 =	vpop (erf);
	(erf) = vpow2.f32 v18  }
0xa2: {  	v17 =	vld [tilespmem:s24+$0xFFFFFFA0];
	v12 =	vmul.f32 $1.442695020e+00, v11;
	v11 =	vpop (erf);
	(erf) = vpow2.f32 v5;
	v5 =	vadd.f32 v6, v21  }
0xa3: {  	v6 =	vld [tilespmem:s24+$0xFFFFFF90];
	v18 =	vmul.f32 $1.442695020e+00, v19;
	v8 =	vadd.f32 v11, v8;
	v3 =	vpop (erf);
	(erf) = vpow2.f32 v2  }
0xa4: {  	v2 =	vmul.f32 $1.442695020e+00, v13;
	v19 =	vld [tilespmem:s24+$0xFFFFFFE0];
	v9 =	vadd.f32 v3, v9;
	v13 =	vpop (erf);
	(erf) = vpow2.f32 v15  }
.Ltmp3:
0xa5: {  	v7 =	vadd.f32 v16, v7;
	v14 =	vmul.f32 $1.442695020e+00, v14;
	v11 =	vld [tilespmem:s24+$0x0];
	(erf) = vpow2.f32 v12;
	v3 =	vpop (erf);
	(pc) =	sbr.rel @p0 .LBB2_5-.Ltmp3, $4  }
0xa6: {  	v8 =	vadd.f32 v13, v8;
	v21 =	vmul.f32 $1.442695020e+00, v10;
	v12 =	vld [tilespmem:s24+$0xFFFFFFD0];
	(erf) = vpow2.f32 v18;
	v15 =	vpop (erf)  }
0xa7: {  	v7 =	vadd.f32 v20, v7;
	v18 =	vmul.f32 $1.442695020e+00, v17;
	v13 =	vld [tilespmem:s24+$0x20];
	(erf) = vpow2.f32 v14;
	v20 =	vpop (erf)  }
0xa8: {  	v9 =	vadd.f32 v15, v9;
	v16 =	vmul.f32 $1.442695020e+00, v6;
	v14 =	vld [tilespmem:s24+$0x10];
	(erf) = vpow2.f32 v21;
	v10 =	vpop (erf)  }
0xa9: {  	v8 =	vadd.f32 v20, v8;
	v17 =	vmul.f32 $1.442695020e+00, v19;
	v15 =	vld [tilespmem:s24+$0x40];
	(erf) = vpow2.f32 v18;
	v6 =	vpop (erf)  }
0xaa: {  	v11 =	vmul.f32 $1.442695020e+00, v11;
	v18 =	vld [tilespmem:s24+$0x50];
	(erf) = vpow2.f32 v16  }
0xab: {  	v37 =	vpop (erf);
	v19 =	vld [tilespmem:s24+$0x30];
	v12 =	vmul.f32 $1.442695020e+00, v12;
	(erf) = vpow2.f32 v17  }
0xac: {  	v38 =	vpop (erf);
	v13 =	vmul.f32 $1.442695020e+00, v13;
	(erf) = vpow2.f32 v11  }
0xad: {  	v39 =	vpop (erf);
	v14 =	vmul.f32 $1.442695020e+00, v14;
	(erf) = vpow2.f32 v12  }
0xae: {  	v20 =	vld [tilespmem:s24+$0x70];
	v40 =	vpop (erf);
	v15 =	vmul.f32 $1.442695020e+00, v15;
	(erf) = vpow2.f32 v13  }
0xaf: {  	v42 =	vld [tilespmem:$0x7C80];
	v41 =	vpop (erf);
	v18 =	vmul.f32 $1.442695020e+00, v18;
	(erf) = vpow2.f32 v14  }
0xb0: {  	v43 =	vld [tilespmem:$0x7C90];
	v21 =	vpop (erf);
	v19 =	vmul.f32 $1.442695020e+00, v19;
	(erf) = vpow2.f32 v15  }
0xb1: {  	v44 =	vld [tilespmem:$0x7CA0];
	v22 =	vpop (erf);
	(erf) = vpow2.f32 v18  }
0xb2: {  	v45 =	vld [tilespmem:$0x7CB0];
	v23 =	vpop (erf);
	(erf) = vpow2.f32 v19  }
0xb3: {  	v4 =	vadd.f32 v4, v5;
	v5 =	vmul.f32 $1.442695020e+00, v20;
	v24 =	vpop (erf);
	(erf) = vpow2.f32 v2;
	v2 =	vld [tilespmem:$0x7CC0]  }
0xb4: {  	v48 =	vld [tilespmem:$0x7CD0]  }
0xb5: {  	v9 =	vadd.f32 v10, v9;
	v50 =	vld [tilespmem:$0x7CE0];
	v4 =	vadd.f32 v39, v4;
	v14 =	vmul.f32 $1.442695020e+00, v42;
	v46 =	vpop (erf)  }
0xb6: {  	v53 =	vld [tilespmem:$0x7CF0];
	v1 =	vadd.f32 v1, v8;
	v49 =	vmul.f32 $1.442695020e+00, v43;
	v52 =	vmul.f32 $1.442695020e+00, v44;
	v47 =	vpop (erf)  }
0xb7: {  	v7 =	vadd.f32 v38, v7;
	v54 =	vmul.f32 $1.442695020e+00, v45;
	(erf) = vpow2.f32 v5;
	v5 =	vpop (erf)  }
0xb8: {  	v9 =	vadd.f32 v37, v9;
	(erf) = vpow2.f32 v14;
	v51 =	vpop (erf);
	v2 =	vmul.f32 $1.442695020e+00, v2  }
0xb9: {  	s24 =	sadd.s32 $0x7FFFC180, s22;
	v3 =	vadd.f32 v3, v4;
	v56 =	vmul.f32 $1.442695020e+00, v48;
	(erf) = vpow2.f32 v49;
	v4 =	vpop (erf)  }
0xba: {  	p0 =	sgt.u32 s24, $0x3E7F;
	v7 =	vadd.f32 v40, v7;
	v57 =	vmul.f32 $1.442695020e+00, v50;
	(erf) = vpow2.f32 v52;
	v55 =	vpop (erf)  }
0xbb: {  	s22 =	sand.u32 @!p0 $0xF, s22;
	v59 =	vmul.f32 $1.442695020e+00, v53;
	v3 =	vadd.f32 v6, v3;
	(erf) = vpow2.f32 v54;
	v6 =	vpop (erf)  }
0xbc: {  	p1 =	seq.s32 @!p0 s24, $0x0;
	p2 =	sne.s32 @!p0 s22, $0x0;
	v1 =	vadd.f32 v24, v1;
	v9 =	vadd.f32 v46, v9;
	(erf) = vpow2.f32 v2;
	v2 =	vpop (erf)  }
0xbd: {  	p1 =	por @!p0 !p1, !p2;
	v7 =	vadd.f32 v23, v7;
	v3 =	vadd.f32 v22, v3;
	(erf) = vpow2.f32 v56;
	v58 =	vpop (erf)  }
0xbe: {  	p1 =	por @!p0 !p1, !p1;
	v1 =	vadd.f32 v47, v1;
	v8 =	vadd.f32 v51, v9;
	(erf) = vpow2.f32 v57;
	v60 =	vpop (erf)  }
0xbf: {  	s22 =	simm.s32 @!p0 $0xFFFFFFFF;
	p1 =	por !p1, p0;
	v7 =	vadd.f32 v21, v7;
	(erf) = vpow2.f32 v59;
	v3 =	vadd.f32 v60, v3  }
0xc0: {  	s22 =	simm.s32 @p1 $0x0;
	v1 =	vadd.f32 v4, v1;
	v4 =	vadd.f32 v55, v8;
	v61 =	vpop (erf)  }
0xc1: {  	s22 =	sshll.u32 @!p0 s22, $0x4;
	v7 =	vadd.f32 v58, v7;
	v3 =	vadd.f32 v5, v3;
	v5 =	vpop (erf)  }
0xc2: {  	s22 =	sadd.s32 @!p0 s24, s22;
	v62 =	vpop (erf)  }
0xc3: {  	s22 =	sand.u32 @!p0 $0xFFFFFFF0, s22;
	v7 =	vadd.f32 v61, v7;
	v3 =	vadd.f32 v6, v3;
	v6 =	vpop (erf)  }
0xc4: {  	v10 =	vld @!p0 [tilespmem:s22+$0x3E80];
	v2 =	vadd.f32 v2, v4;
	v4 =	vpop (erf)  }
0xc5: {  	p1 =	sne.s32 s21, $0x3F;
	v1 =	vadd.f32 v41, v1;
	v3 =	vadd.f32 v5, v3;
	v5 =	vpop (erf)  }
.Ltmp4:
0xc6: {  	v11 =	vlaneseq.u32 @!p0;
	s22 =	ssub.s32 @!p0 s24, s22;
	v2 =	vadd.f32 v62, v2;
	v63 =	vpop (erf);
	(pc) =	sbr.rel @!p1 .LBB2_7-.Ltmp4, $4  }
0xc7: {  	v9 =	vmov @!p0 s22;
	v6 =	vadd.f32 v6, v1;
	v4 =	vadd.f32 v4, v7;
	v7 =	vpop (erf)  }
0xc8: {  	s22 =	sshll.u32 @!p0 s21, $0x4;
	vm0 =	veq.s32 @!p0 v9, v11;
	v1 =	vadd.f32 v5, v3;
	v2 =	vadd.f32 v63, v2;
	v5 =	vpop (erf)  }
0xc9: {  	s22 =	sand.u32 @!p0 $0x3FFFFFF0, s22;
	v8 =	vnsel @!p0 vm0, $0x0, v10;
	v3 =	vadd.f32 v7, v6;
	v4 =	vadd.f32 v5, v4  }
0xca: {  	[tilespmem:s22+$0x8180] =	vst @!p0 v8  }
0xcb: {  	s22 =	sor.u32 s4, s21  }
0xcc: {  	s22 =	sadd.s32 $0x1, s22  }
0xcd: {  	s24 =	sshrl.u32 s22, $0x3  }
0xce: {  	s22 =	sshll.u32 s22, $0x7;
	s24 =	smul.u32 $0x3E800, s24  }
0xcf: {  	s22 =	sand.u32 $0x380, s22  }
0xd0: {  	p0 =	sne.s32 s23, $0x40;
	s22 =	sor.u32 s22, s24  }
.Ltmp5:
0xd1: {  	v1 =	vadd.f32 v2, v1;
	v2 =	vadd.f32 v4, v3;
	s22 =	sadd.s32 $0x1F400, s22;
	(pc) =	sbr.rel @p0 .LBB2_2-.Ltmp5, $4  }
.Ltmp6:
0xd2: {  	s31 =	sshll.u32 s21, $0x4;
	s22 =	sshrl.u32 s22, $0x3;
	(pc) =	sbr.rel @!p0 .LBB2_9-.Ltmp6, $4  }
0xd3: {  	s21 =	sand.u32 $0x3FFFFFF0, s31;
	v1 =	vadd.f32 v2, v1;
	s22 =	sadd.s32 s1, s22  }
0xd4: {  	[tilespmem:s15], [sflag:$0x2] =	stream.strided.gather [hbm4b:s22+s13], $0x3E80, s14, s13, $0x38;
	[tilespmem:$0x8580] =	vst v63  }
0xd5: {  	[tilespmem:s21+$0x7D80] =	vst v1;
	s21 =	smov.u32 s23  }
0xd6: {  	_ = 	snop  }
.LBB2_10:
0xd7: {  	_ =	sfence.sel $0x180000  }
0xd8: {  	[bflag:$0x0] =	sbarrier.arrive $0xFFFF  }
0xd9: {  	p0 =	sne.s32 s0, $0x0;
	_ =	strace $0x90000047  }
0xda: {  	s0 =	sadd.s32 @!p0 $0x100000, s2;
	[bflag:$0x2] =	sbarrier.arrive $0xFFFF  }
0xdb: {  	[sflag:s0] =	ssyncadd.tile.s32 @!p0 $0x1;
	_ =	shalt  }
.Lfunc_end2:
_tile_overlayer_lowered:
.L_overlay_start_2:
0xdc: {  	(tag) =	ssettag $0x2  }
0xdd: {  	s0 =	rddreg [dreg:$0x0];
	s2 =	stileid.u32  }
0xde: {  	s1 =	rddreg [dreg:$0x1];
	p0 =	sne.s32 s2, $0x0  }
0xdf: {  	s3 =	rddreg [dreg:$0x2];
	[bflag:$0x3] =	sbarrier.arrive $0xFFFF;
	s2 =	simm.s32 @!p0 $0x1C03  }
0xe0: {  	[timem:s3], [sflag:s2] =	dma.local @!p0 [hbm:s0], s1  }
0xe1: {  	s0 =	simm.s32 @!p0 $0x3  }
0xe2: {  	_ =	swait.ge @!p0 [sflag:s0], s1  }
0xe3: {  	s1 =	ssub.s32 @!p0 $0x0, s1;
	[sflag:s0] =	ssyncset.done @!p0 $0x0  }
0xe4: {  	[sflag:s0] =	ssyncadd.s32 @!p0 s1  }
0xe5: {  	[bflag:$0x3] =	sbarrier.arrive $0xFFFF  }
0xe6: {  	_ =	shalt  }

</sc_bundles>
